<compile_context>
chip_gen: v7x
topology: tpu7x:2x2x1
jax: 0.10.2.dev20260603
libtpu: 0.0.44.dev20260713+nightly
codegen_flags: <defaults>
</compile_context>

<pallas_src>
import functools

import numpy as np
import jax
import jax.numpy as jnp
from jax import lax
from jax.experimental import pallas as pl
from jax.experimental.pallas import tpu as pltpu
from jax.experimental.pallas import tpu_sc as plsc

_N = 100000
_D = 128
_REMASK_RATE = 0.5
_NUM_REMASK = int(_REMASK_RATE * _N)
_CH = 128



def _rotl(x, r):
    return (x << np.uint32(r)) | (x >> np.uint32(32 - r))


def _threefry2x32(key, count):
    x0, x1 = np.array_split(count, 2)
    x0, x1 = x0.copy(), x1.copy()
    ks = [key[0], key[1], key[0] ^ key[1] ^ np.uint32(0x1BD11BDA)]
    rotations = [(13, 15, 26, 6), (17, 29, 16, 24)]
    old = np.seterr(over="ignore")
    x0 += ks[0]
    x1 += ks[1]
    for i in range(5):
        for r in rotations[i % 2]:
            x0 += x1
            x1 = _rotl(x1, r)
            x1 ^= x0
        x0 += ks[(i + 1) % 3]
        x1 += ks[(i + 2) % 3] + np.uint32(i + 1)
    np.seterr(**old)
    return np.concatenate([x0, x1])


def _fry_counts(size):
    cnt = np.arange(size, dtype=np.uint64)
    hi = (cnt >> np.uint64(32)).astype(np.uint32)
    lo = cnt.astype(np.uint32)
    return np.concatenate([hi, lo])


def _fry_split(key, num=2):
    out = _threefry2x32(key, _fry_counts(num))
    return np.stack([out[:num], out[num:]], axis=1)


def _fry_random_bits(key, size):
    out = _threefry2x32(key, _fry_counts(size))
    return out[:size] ^ out[size:]


def _fixed_permutation(seed, n):
    key = np.array([seed >> 32, seed & 0xFFFFFFFF], dtype=np.uint32)
    x = np.arange(n, dtype=np.int32)
    for _ in range(2):
        key, subkey = _fry_split(key)
        x = x[np.argsort(_fry_random_bits(subkey, n), kind="stable")]
    return x


def _constants():
    pn = _fixed_permutation(42, _N)
    remask_nodes = pn[:_NUM_REMASK]
    rekeep_nodes = pn[_NUM_REMASK:]
    masked_sorted = np.sort(pn[:_NUM_REMASK]).astype(np.int32)
    kept_sorted = np.sort(pn[_NUM_REMASK:]).astype(np.int32)
    nw = 32

    def pack(a):
        nc = -(-a.size // (nw * _CH))
        total = nw * nc * _CH
        pad = np.full(total - a.size, a[-1], a.dtype)
        return np.concatenate([a, pad]).reshape(nw, nc, _CH), nc

    kept_arr, kc = pack(kept_sorted)
    mask_arr, mc = pack(masked_sorted)
    return remask_nodes, rekeep_nodes, kept_arr, kc, mask_arr, mc


_CONSTANTS = _constants()


_NB = 4


@functools.lru_cache(maxsize=None)
def _build_remask(kc, mc):
    mesh = plsc.VectorSubcoreMesh(core_axis_name="c", subcore_axis_name="s")

    @functools.partial(
        pl.kernel,
        out_type=jax.ShapeDtypeStruct((_N, _D), jnp.float32),
        mesh=mesh,
        scratch_types=[
            pltpu.VMEM((kc, _CH), jnp.int32),
            pltpu.VMEM((mc, _CH), jnp.int32),
            pltpu.VMEM((_CH, _D), jnp.float32),
        ]
        + [pltpu.VMEM((_CH, _D), jnp.float32) for _ in range(_NB)]
        + [pltpu.SemaphoreType.DMA for _ in range(2 * _NB + 1)],
    )
    def remask_kernel(rep_hbm, tok_hbm, kept_hbm, mask_hbm, out_hbm,
                      kidx_v, midx_v, tok_v, *bufs_and_sems):
        rows = bufs_and_sems[:_NB]
        gsem = bufs_and_sems[_NB:2 * _NB]
        ssem = bufs_and_sems[2 * _NB:3 * _NB]
        msem = bufs_and_sems[3 * _NB]
        w = lax.axis_index("s") * 2 + lax.axis_index("c")

        pltpu.sync_copy(kept_hbm.at[w], kidx_v)
        pltpu.sync_copy(mask_hbm.at[w], midx_v)
        pltpu.sync_copy(tok_hbm, tok_v)

        mh = [pltpu.async_copy(tok_v, out_hbm.at[midx_v.at[i]], msem)
              for i in range(mc)]

        g = [None] * kc
        s = [None] * kc
        for i in range(kc):
            b = i % _NB
            if i >= _NB:
                s[i - _NB].wait()
            g[i] = pltpu.async_copy(rep_hbm.at[kidx_v.at[i]], rows[b],
                                    gsem[b])
            if i >= 1:
                g[i - 1].wait()
                s[i - 1] = pltpu.async_copy(rows[(i - 1) % _NB],
                                            out_hbm.at[kidx_v.at[i - 1]],
                                            ssem[(i - 1) % _NB])
        g[kc - 1].wait()
        s[kc - 1] = pltpu.async_copy(rows[(kc - 1) % _NB],
                                     out_hbm.at[kidx_v.at[kc - 1]],
                                     ssem[(kc - 1) % _NB])
        for i in range(max(0, kc - _NB), kc):
            s[i].wait()
        for h in mh:
            h.wait()

    return remask_kernel


def kernel(rep, dec_mask_token):
    remask_nodes, rekeep_nodes, kept_arr, kc, mask_arr, mc = _CONSTANTS
    tok_full = jnp.broadcast_to(dec_mask_token, (_CH, _D))
    out = _build_remask(kc, mc)(
        rep, tok_full, jnp.asarray(kept_arr), jnp.asarray(mask_arr))
    return out, remask_nodes, rekeep_nodes

# --- scband reference (transcript-rebuilt; emitter-appended) ---
"""Pipeline reference for scband-random-remask-21311627723510 (READ-ONLY COPY).

The authoritative reference and input builder live on the scoring server;
editing this copy changes nothing except your own understanding.
"""

import jax, jax.numpy as jnp
import numpy as np

N = 100000
D = 128
REMASK_RATE = 0.5

def setup_inputs(seed: int = 0) -> dict:
    key = jax.random.key(seed)
    k1, k2 = jax.random.split(key)
    rep = jax.random.normal(k1, (N, D), dtype=jnp.float32)
    # dec_mask_token: nn.Parameter of shape (1, out_dim), xavier_normal init
    std = 1.414 * np.sqrt(2.0 / (1 + D))
    dec_mask_token = jax.random.normal(k2, (1, D), dtype=jnp.float32) * std
    return {"rep": rep, "dec_mask_token": dec_mask_token}

def reference(rep, dec_mask_token):
    num_nodes = rep.shape[0]
    # torch.randperm -> deterministic jax permutation with fixed key
    perm = jax.random.permutation(jax.random.key(42), num_nodes)
    num_remask_nodes = int(REMASK_RATE * num_nodes)
    remask_nodes = perm[:num_remask_nodes]
    rekeep_nodes = perm[num_remask_nodes:]
    out_rep = rep
    # out_rep[remask_nodes] = 0.0
    out_rep = out_rep.at[remask_nodes].set(0.0)
    # out_rep[remask_nodes] += dec_mask_token (broadcast (1, D) over rows)
    out_rep = out_rep.at[remask_nodes].add(jnp.broadcast_to(dec_mask_token, (num_remask_nodes, rep.shape[1])))
    return (out_rep, remask_nodes, rekeep_nodes)

if __name__ == "__main__":
    import jax
    _d = setup_inputs()
    print(jax.jit(kernel)(*tuple(_d.values())))

</pallas_src>

<mosaic_0001>
#map = affine_map<(d0, d1) -> (0, 0)>
#map1 = affine_map<(d0, d1) -> (0, 0, 0)>
module attributes {stable_mosaic.version = 14 : i64} {
  func.func @remask_kernel(%arg0: i32, %arg1: i32, %arg2: memref<100000x128xf32, #tpu.memory_space<hbm>>, %arg3: memref<128x128xf32, #tpu.memory_space<hbm>>, %arg4: memref<32x13x128xi32, #tpu.memory_space<hbm>>, %arg5: memref<32x13x128xi32, #tpu.memory_space<hbm>>, %arg6: memref<100000x128xf32, #tpu.memory_space<hbm>>, %arg7: memref<13x128xi32, #tpu.memory_space<vmem>>, %arg8: memref<13x128xi32, #tpu.memory_space<vmem>>, %arg9: memref<128x128xf32, #tpu.memory_space<vmem>>, %arg10: memref<128x128xf32, #tpu.memory_space<vmem>>, %arg11: memref<128x128xf32, #tpu.memory_space<vmem>>, %arg12: memref<128x128xf32, #tpu.memory_space<vmem>>, %arg13: memref<128x128xf32, #tpu.memory_space<vmem>>, %arg14: memref<!tpu.dma_semaphore, #tpu.memory_space<semaphore_mem>>, %arg15: memref<!tpu.dma_semaphore, #tpu.memory_space<semaphore_mem>>, %arg16: memref<!tpu.dma_semaphore, #tpu.memory_space<semaphore_mem>>, %arg17: memref<!tpu.dma_semaphore, #tpu.memory_space<semaphore_mem>>, %arg18: memref<!tpu.dma_semaphore, #tpu.memory_space<semaphore_mem>>, %arg19: memref<!tpu.dma_semaphore, #tpu.memory_space<semaphore_mem>>, %arg20: memref<!tpu.dma_semaphore, #tpu.memory_space<semaphore_mem>>, %arg21: memref<!tpu.dma_semaphore, #tpu.memory_space<semaphore_mem>>, %arg22: memref<!tpu.dma_semaphore, #tpu.memory_space<semaphore_mem>>) attributes {dimension_semantics = [#tpu.dimension_semantics<core_parallel>, #tpu.dimension_semantics<subcore_parallel>], iteration_bounds = array<i64: 2, 16>, scalar_prefetch = 0 : i64, scratch_operands = 16 : i64, tpu.core_type = #tpu.core_type<sc_vector_subcore>, window_params = [{transform_indices = #map}, {transform_indices = #map}, {transform_indices = #map1}, {transform_indices = #map1}, {transform_indices = #map}]} {
    %mul3A = arith.constant 2 : i32
    %mul3A_0 = arith.muli %arg1, %mul3A : i32
    %add3A = arith.addi %mul3A_0, %arg0 : i32
    "tpu.region"() ({
      %run_scoped3A = tpu.sem_alloc : memref<!tpu.dma_semaphore, #tpu.memory_space<semaphore_mem>>
      %dma_start3A_545 = arith.constant 0 : i32
      %dma_start3A_546 = arith.constant 0 : i32
      %dma_start3A_547 = tpu.memref_slice %arg4[%add3A, %dma_start3A_545, %dma_start3A_546] : memref<32x13x128xi32, #tpu.memory_space<hbm>> -> memref<1x13x128xi32, #tpu.memory_space<hbm>>
      %dma_start3A_548 = tpu.memref_squeeze %dma_start3A_547 : memref<1x13x128xi32, #tpu.memory_space<hbm>> -> memref<13x128xi32, #tpu.memory_space<hbm>>
      %dma_start3A_549 = arith.constant 0 : i32
      %dma_start3A_550 = arith.constant 0 : i32
      %dma_start3A_551 = tpu.memref_slice %arg4[%add3A, %dma_start3A_549, %dma_start3A_550] : memref<32x13x128xi32, #tpu.memory_space<hbm>> -> memref<1x13x128xi32, #tpu.memory_space<hbm>>
      %dma_start3A_552 = tpu.memref_squeeze %dma_start3A_551 : memref<1x13x128xi32, #tpu.memory_space<hbm>> -> memref<13x128xi32, #tpu.memory_space<hbm>>
      tpu.enqueue_dma source(%dma_start3A_552 : memref<13x128xi32, #tpu.memory_space<hbm>>) target(%arg7 : memref<13x128xi32, #tpu.memory_space<vmem>>) target_semaphore(%run_scoped3A : memref<!tpu.dma_semaphore, #tpu.memory_space<semaphore_mem>>)
      %dma_wait3A_553 = arith.constant 0 : i32
      %dma_wait3A_554 = arith.constant 0 : i32
      %dma_wait3A_555 = tpu.memref_slice %arg4[%add3A, %dma_wait3A_553, %dma_wait3A_554] : memref<32x13x128xi32, #tpu.memory_space<hbm>> -> memref<1x13x128xi32, #tpu.memory_space<hbm>>
      %dma_wait3A_556 = tpu.memref_squeeze %dma_wait3A_555 : memref<1x13x128xi32, #tpu.memory_space<hbm>> -> memref<13x128xi32, #tpu.memory_space<hbm>>
      %dma_wait3A_557 = arith.constant 0 : i32
      %dma_wait3A_558 = arith.constant 0 : i32
      %dma_wait3A_559 = tpu.memref_slice %arg4[%add3A, %dma_wait3A_557, %dma_wait3A_558] : memref<32x13x128xi32, #tpu.memory_space<hbm>> -> memref<1x13x128xi32, #tpu.memory_space<hbm>>
      %dma_wait3A_560 = tpu.memref_squeeze %dma_wait3A_559 : memref<1x13x128xi32, #tpu.memory_space<hbm>> -> memref<13x128xi32, #tpu.memory_space<hbm>>
      tpu.wait_dma2 semaphore(%run_scoped3A : memref<!tpu.dma_semaphore, #tpu.memory_space<semaphore_mem>>) src(%dma_wait3A_560 : memref<13x128xi32, #tpu.memory_space<hbm>>) dst(%arg7 : memref<13x128xi32, #tpu.memory_space<vmem>>)
      tpu.yield
    }) : () -> ()
    "tpu.region"() ({
      %run_scoped3A = tpu.sem_alloc : memref<!tpu.dma_semaphore, #tpu.memory_space<semaphore_mem>>
      %dma_start3A_545 = arith.constant 0 : i32
      %dma_start3A_546 = arith.constant 0 : i32
      %dma_start3A_547 = tpu.memref_slice %arg5[%add3A, %dma_start3A_545, %dma_start3A_546] : memref<32x13x128xi32, #tpu.memory_space<hbm>> -> memref<1x13x128xi32, #tpu.memory_space<hbm>>
      %dma_start3A_548 = tpu.memref_squeeze %dma_start3A_547 : memref<1x13x128xi32, #tpu.memory_space<hbm>> -> memref<13x128xi32, #tpu.memory_space<hbm>>
      %dma_start3A_549 = arith.constant 0 : i32
      %dma_start3A_550 = arith.constant 0 : i32
      %dma_start3A_551 = tpu.memref_slice %arg5[%add3A, %dma_start3A_549, %dma_start3A_550] : memref<32x13x128xi32, #tpu.memory_space<hbm>> -> memref<1x13x128xi32, #tpu.memory_space<hbm>>
      %dma_start3A_552 = tpu.memref_squeeze %dma_start3A_551 : memref<1x13x128xi32, #tpu.memory_space<hbm>> -> memref<13x128xi32, #tpu.memory_space<hbm>>
      tpu.enqueue_dma source(%dma_start3A_552 : memref<13x128xi32, #tpu.memory_space<hbm>>) target(%arg8 : memref<13x128xi32, #tpu.memory_space<vmem>>) target_semaphore(%run_scoped3A : memref<!tpu.dma_semaphore, #tpu.memory_space<semaphore_mem>>)
      %dma_wait3A_553 = arith.constant 0 : i32
      %dma_wait3A_554 = arith.constant 0 : i32
      %dma_wait3A_555 = tpu.memref_slice %arg5[%add3A, %dma_wait3A_553, %dma_wait3A_554] : memref<32x13x128xi32, #tpu.memory_space<hbm>> -> memref<1x13x128xi32, #tpu.memory_space<hbm>>
      %dma_wait3A_556 = tpu.memref_squeeze %dma_wait3A_555 : memref<1x13x128xi32, #tpu.memory_space<hbm>> -> memref<13x128xi32, #tpu.memory_space<hbm>>
      %dma_wait3A_557 = arith.constant 0 : i32
      %dma_wait3A_558 = arith.constant 0 : i32
      %dma_wait3A_559 = tpu.memref_slice %arg5[%add3A, %dma_wait3A_557, %dma_wait3A_558] : memref<32x13x128xi32, #tpu.memory_space<hbm>> -> memref<1x13x128xi32, #tpu.memory_space<hbm>>
      %dma_wait3A_560 = tpu.memref_squeeze %dma_wait3A_559 : memref<1x13x128xi32, #tpu.memory_space<hbm>> -> memref<13x128xi32, #tpu.memory_space<hbm>>
      tpu.wait_dma2 semaphore(%run_scoped3A : memref<!tpu.dma_semaphore, #tpu.memory_space<semaphore_mem>>) src(%dma_wait3A_560 : memref<13x128xi32, #tpu.memory_space<hbm>>) dst(%arg8 : memref<13x128xi32, #tpu.memory_space<vmem>>)
      tpu.yield
    }) : () -> ()
    "tpu.region"() ({
      %run_scoped3A = tpu.sem_alloc : memref<!tpu.dma_semaphore, #tpu.memory_space<semaphore_mem>>
      tpu.enqueue_dma source(%arg3 : memref<128x128xf32, #tpu.memory_space<hbm>>) target(%arg9 : memref<128x128xf32, #tpu.memory_space<vmem>>) target_semaphore(%run_scoped3A : memref<!tpu.dma_semaphore, #tpu.memory_space<semaphore_mem>>)
      tpu.wait_dma2 semaphore(%run_scoped3A : memref<!tpu.dma_semaphore, #tpu.memory_space<semaphore_mem>>) src(%arg3 : memref<128x128xf32, #tpu.memory_space<hbm>>) dst(%arg9 : memref<128x128xf32, #tpu.memory_space<vmem>>)
      tpu.yield
    }) : () -> ()
    %dma_start3A = arith.constant 0 : i32
    %dma_start3A_1 = arith.constant 0 : i32
    %dma_start3A_2 = tpu.memref_slice %arg8[%dma_start3A, %dma_start3A_1] : memref<13x128xi32, #tpu.memory_space<vmem>> -> memref<1x128xi32, #tpu.memory_space<vmem>>
    %dma_start3A_3 = tpu.memref_squeeze %dma_start3A_2 : memref<1x128xi32, #tpu.memory_space<vmem>> -> memref<128xi32, #tpu.memory_space<vmem>>
    %dma_start3A_4 = arith.constant 0 : i32
    %dma_start3A_5 = arith.constant 0 : i32
    %dma_start3A_6 = tpu.memref_slice %arg6[%dma_start3A_4, %dma_start3A_5] : memref<100000x128xf32, #tpu.memory_space<hbm>> -> memref<100000x128xf32, #tpu.memory_space<hbm>>
    tpu.enqueue_indirect_dma source(%arg9 : memref<128x128xf32, #tpu.memory_space<vmem>>) target(%dma_start3A_6 : memref<100000x128xf32, #tpu.memory_space<hbm>>) offsets(%dma_start3A_3 : memref<128xi32, #tpu.memory_space<vmem>>) semaphore(%arg22 : memref<!tpu.dma_semaphore, #tpu.memory_space<semaphore_mem>>)
    %dma_start3A_7 = arith.constant 1 : i32
    %dma_start3A_8 = arith.constant 0 : i32
    %dma_start3A_9 = tpu.memref_slice %arg8[%dma_start3A_7, %dma_start3A_8] : memref<13x128xi32, #tpu.memory_space<vmem>> -> memref<1x128xi32, #tpu.memory_space<vmem>>
    %dma_start3A_10 = tpu.memref_squeeze %dma_start3A_9 : memref<1x128xi32, #tpu.memory_space<vmem>> -> memref<128xi32, #tpu.memory_space<vmem>>
    %dma_start3A_11 = arith.constant 0 : i32
    %dma_start3A_12 = arith.constant 0 : i32
    %dma_start3A_13 = tpu.memref_slice %arg6[%dma_start3A_11, %dma_start3A_12] : memref<100000x128xf32, #tpu.memory_space<hbm>> -> memref<100000x128xf32, #tpu.memory_space<hbm>>
    tpu.enqueue_indirect_dma source(%arg9 : memref<128x128xf32, #tpu.memory_space<vmem>>) target(%dma_start3A_13 : memref<100000x128xf32, #tpu.memory_space<hbm>>) offsets(%dma_start3A_10 : memref<128xi32, #tpu.memory_space<vmem>>) semaphore(%arg22 : memref<!tpu.dma_semaphore, #tpu.memory_space<semaphore_mem>>)
    %dma_start3A_14 = arith.constant 2 : i32
    %dma_start3A_15 = arith.constant 0 : i32
    %dma_start3A_16 = tpu.memref_slice %arg8[%dma_start3A_14, %dma_start3A_15] : memref<13x128xi32, #tpu.memory_space<vmem>> -> memref<1x128xi32, #tpu.memory_space<vmem>>
    %dma_start3A_17 = tpu.memref_squeeze %dma_start3A_16 : memref<1x128xi32, #tpu.memory_space<vmem>> -> memref<128xi32, #tpu.memory_space<vmem>>
    %dma_start3A_18 = arith.constant 0 : i32
    %dma_start3A_19 = arith.constant 0 : i32
    %dma_start3A_20 = tpu.memref_slice %arg6[%dma_start3A_18, %dma_start3A_19] : memref<100000x128xf32, #tpu.memory_space<hbm>> -> memref<100000x128xf32, #tpu.memory_space<hbm>>
    tpu.enqueue_indirect_dma source(%arg9 : memref<128x128xf32, #tpu.memory_space<vmem>>) target(%dma_start3A_20 : memref<100000x128xf32, #tpu.memory_space<hbm>>) offsets(%dma_start3A_17 : memref<128xi32, #tpu.memory_space<vmem>>) semaphore(%arg22 : memref<!tpu.dma_semaphore, #tpu.memory_space<semaphore_mem>>)
    %dma_start3A_21 = arith.constant 3 : i32
    %dma_start3A_22 = arith.constant 0 : i32
    %dma_start3A_23 = tpu.memref_slice %arg8[%dma_start3A_21, %dma_start3A_22] : memref<13x128xi32, #tpu.memory_space<vmem>> -> memref<1x128xi32, #tpu.memory_space<vmem>>
    %dma_start3A_24 = tpu.memref_squeeze %dma_start3A_23 : memref<1x128xi32, #tpu.memory_space<vmem>> -> memref<128xi32, #tpu.memory_space<vmem>>
    %dma_start3A_25 = arith.constant 0 : i32
    %dma_start3A_26 = arith.constant 0 : i32
    %dma_start3A_27 = tpu.memref_slice %arg6[%dma_start3A_25, %dma_start3A_26] : memref<100000x128xf32, #tpu.memory_space<hbm>> -> memref<100000x128xf32, #tpu.memory_space<hbm>>
    tpu.enqueue_indirect_dma source(%arg9 : memref<128x128xf32, #tpu.memory_space<vmem>>) target(%dma_start3A_27 : memref<100000x128xf32, #tpu.memory_space<hbm>>) offsets(%dma_start3A_24 : memref<128xi32, #tpu.memory_space<vmem>>) semaphore(%arg22 : memref<!tpu.dma_semaphore, #tpu.memory_space<semaphore_mem>>)
    %dma_start3A_28 = arith.constant 4 : i32
    %dma_start3A_29 = arith.constant 0 : i32
    %dma_start3A_30 = tpu.memref_slice %arg8[%dma_start3A_28, %dma_start3A_29] : memref<13x128xi32, #tpu.memory_space<vmem>> -> memref<1x128xi32, #tpu.memory_space<vmem>>
    %dma_start3A_31 = tpu.memref_squeeze %dma_start3A_30 : memref<1x128xi32, #tpu.memory_space<vmem>> -> memref<128xi32, #tpu.memory_space<vmem>>
    %dma_start3A_32 = arith.constant 0 : i32
    %dma_start3A_33 = arith.constant 0 : i32
    %dma_start3A_34 = tpu.memref_slice %arg6[%dma_start3A_32, %dma_start3A_33] : memref<100000x128xf32, #tpu.memory_space<hbm>> -> memref<100000x128xf32, #tpu.memory_space<hbm>>
    tpu.enqueue_indirect_dma source(%arg9 : memref<128x128xf32, #tpu.memory_space<vmem>>) target(%dma_start3A_34 : memref<100000x128xf32, #tpu.memory_space<hbm>>) offsets(%dma_start3A_31 : memref<128xi32, #tpu.memory_space<vmem>>) semaphore(%arg22 : memref<!tpu.dma_semaphore, #tpu.memory_space<semaphore_mem>>)
    %dma_start3A_35 = arith.constant 5 : i32
    %dma_start3A_36 = arith.constant 0 : i32
    %dma_start3A_37 = tpu.memref_slice %arg8[%dma_start3A_35, %dma_start3A_36] : memref<13x128xi32, #tpu.memory_space<vmem>> -> memref<1x128xi32, #tpu.memory_space<vmem>>
    %dma_start3A_38 = tpu.memref_squeeze %dma_start3A_37 : memref<1x128xi32, #tpu.memory_space<vmem>> -> memref<128xi32, #tpu.memory_space<vmem>>
    %dma_start3A_39 = arith.constant 0 : i32
    %dma_start3A_40 = arith.constant 0 : i32
    %dma_start3A_41 = tpu.memref_slice %arg6[%dma_start3A_39, %dma_start3A_40] : memref<100000x128xf32, #tpu.memory_space<hbm>> -> memref<100000x128xf32, #tpu.memory_space<hbm>>
    tpu.enqueue_indirect_dma source(%arg9 : memref<128x128xf32, #tpu.memory_space<vmem>>) target(%dma_start3A_41 : memref<100000x128xf32, #tpu.memory_space<hbm>>) offsets(%dma_start3A_38 : memref<128xi32, #tpu.memory_space<vmem>>) semaphore(%arg22 : memref<!tpu.dma_semaphore, #tpu.memory_space<semaphore_mem>>)
    %dma_start3A_42 = arith.constant 6 : i32
    %dma_start3A_43 = arith.constant 0 : i32
    %dma_start3A_44 = tpu.memref_slice %arg8[%dma_start3A_42, %dma_start3A_43] : memref<13x128xi32, #tpu.memory_space<vmem>> -> memref<1x128xi32, #tpu.memory_space<vmem>>
    %dma_start3A_45 = tpu.memref_squeeze %dma_start3A_44 : memref<1x128xi32, #tpu.memory_space<vmem>> -> memref<128xi32, #tpu.memory_space<vmem>>
    %dma_start3A_46 = arith.constant 0 : i32
    %dma_start3A_47 = arith.constant 0 : i32
    %dma_start3A_48 = tpu.memref_slice %arg6[%dma_start3A_46, %dma_start3A_47] : memref<100000x128xf32, #tpu.memory_space<hbm>> -> memref<100000x128xf32, #tpu.memory_space<hbm>>
    tpu.enqueue_indirect_dma source(%arg9 : memref<128x128xf32, #tpu.memory_space<vmem>>) target(%dma_start3A_48 : memref<100000x128xf32, #tpu.memory_space<hbm>>) offsets(%dma_start3A_45 : memref<128xi32, #tpu.memory_space<vmem>>) semaphore(%arg22 : memref<!tpu.dma_semaphore, #tpu.memory_space<semaphore_mem>>)
    %dma_start3A_49 = arith.constant 7 : i32
    %dma_start3A_50 = arith.constant 0 : i32
    %dma_start3A_51 = tpu.memref_slice %arg8[%dma_start3A_49, %dma_start3A_50] : memref<13x128xi32, #tpu.memory_space<vmem>> -> memref<1x128xi32, #tpu.memory_space<vmem>>
    %dma_start3A_52 = tpu.memref_squeeze %dma_start3A_51 : memref<1x128xi32, #tpu.memory_space<vmem>> -> memref<128xi32, #tpu.memory_space<vmem>>
    %dma_start3A_53 = arith.constant 0 : i32
    %dma_start3A_54 = arith.constant 0 : i32
    %dma_start3A_55 = tpu.memref_slice %arg6[%dma_start3A_53, %dma_start3A_54] : memref<100000x128xf32, #tpu.memory_space<hbm>> -> memref<100000x128xf32, #tpu.memory_space<hbm>>
    tpu.enqueue_indirect_dma source(%arg9 : memref<128x128xf32, #tpu.memory_space<vmem>>) target(%dma_start3A_55 : memref<100000x128xf32, #tpu.memory_space<hbm>>) offsets(%dma_start3A_52 : memref<128xi32, #tpu.memory_space<vmem>>) semaphore(%arg22 : memref<!tpu.dma_semaphore, #tpu.memory_space<semaphore_mem>>)
    %dma_start3A_56 = arith.constant 8 : i32
    %dma_start3A_57 = arith.constant 0 : i32
    %dma_start3A_58 = tpu.memref_slice %arg8[%dma_start3A_56, %dma_start3A_57] : memref<13x128xi32, #tpu.memory_space<vmem>> -> memref<1x128xi32, #tpu.memory_space<vmem>>
    %dma_start3A_59 = tpu.memref_squeeze %dma_start3A_58 : memref<1x128xi32, #tpu.memory_space<vmem>> -> memref<128xi32, #tpu.memory_space<vmem>>
    %dma_start3A_60 = arith.constant 0 : i32
    %dma_start3A_61 = arith.constant 0 : i32
    %dma_start3A_62 = tpu.memref_slice %arg6[%dma_start3A_60, %dma_start3A_61] : memref<100000x128xf32, #tpu.memory_space<hbm>> -> memref<100000x128xf32, #tpu.memory_space<hbm>>
    tpu.enqueue_indirect_dma source(%arg9 : memref<128x128xf32, #tpu.memory_space<vmem>>) target(%dma_start3A_62 : memref<100000x128xf32, #tpu.memory_space<hbm>>) offsets(%dma_start3A_59 : memref<128xi32, #tpu.memory_space<vmem>>) semaphore(%arg22 : memref<!tpu.dma_semaphore, #tpu.memory_space<semaphore_mem>>)
    %dma_start3A_63 = arith.constant 9 : i32
    %dma_start3A_64 = arith.constant 0 : i32
    %dma_start3A_65 = tpu.memref_slice %arg8[%dma_start3A_63, %dma_start3A_64] : memref<13x128xi32, #tpu.memory_space<vmem>> -> memref<1x128xi32, #tpu.memory_space<vmem>>
    %dma_start3A_66 = tpu.memref_squeeze %dma_start3A_65 : memref<1x128xi32, #tpu.memory_space<vmem>> -> memref<128xi32, #tpu.memory_space<vmem>>
    %dma_start3A_67 = arith.constant 0 : i32
    %dma_start3A_68 = arith.constant 0 : i32
    %dma_start3A_69 = tpu.memref_slice %arg6[%dma_start3A_67, %dma_start3A_68] : memref<100000x128xf32, #tpu.memory_space<hbm>> -> memref<100000x128xf32, #tpu.memory_space<hbm>>
    tpu.enqueue_indirect_dma source(%arg9 : memref<128x128xf32, #tpu.memory_space<vmem>>) target(%dma_start3A_69 : memref<100000x128xf32, #tpu.memory_space<hbm>>) offsets(%dma_start3A_66 : memref<128xi32, #tpu.memory_space<vmem>>) semaphore(%arg22 : memref<!tpu.dma_semaphore, #tpu.memory_space<semaphore_mem>>)
    %dma_start3A_70 = arith.constant 10 : i32
    %dma_start3A_71 = arith.constant 0 : i32
    %dma_start3A_72 = tpu.memref_slice %arg8[%dma_start3A_70, %dma_start3A_71] : memref<13x128xi32, #tpu.memory_space<vmem>> -> memref<1x128xi32, #tpu.memory_space<vmem>>
    %dma_start3A_73 = tpu.memref_squeeze %dma_start3A_72 : memref<1x128xi32, #tpu.memory_space<vmem>> -> memref<128xi32, #tpu.memory_space<vmem>>
    %dma_start3A_74 = arith.constant 0 : i32
    %dma_start3A_75 = arith.constant 0 : i32
    %dma_start3A_76 = tpu.memref_slice %arg6[%dma_start3A_74, %dma_start3A_75] : memref<100000x128xf32, #tpu.memory_space<hbm>> -> memref<100000x128xf32, #tpu.memory_space<hbm>>
    tpu.enqueue_indirect_dma source(%arg9 : memref<128x128xf32, #tpu.memory_space<vmem>>) target(%dma_start3A_76 : memref<100000x128xf32, #tpu.memory_space<hbm>>) offsets(%dma_start3A_73 : memref<128xi32, #tpu.memory_space<vmem>>) semaphore(%arg22 : memref<!tpu.dma_semaphore, #tpu.memory_space<semaphore_mem>>)
    %dma_start3A_77 = arith.constant 11 : i32
    %dma_start3A_78 = arith.constant 0 : i32
    %dma_start3A_79 = tpu.memref_slice %arg8[%dma_start3A_77, %dma_start3A_78] : memref<13x128xi32, #tpu.memory_space<vmem>> -> memref<1x128xi32, #tpu.memory_space<vmem>>
    %dma_start3A_80 = tpu.memref_squeeze %dma_start3A_79 : memref<1x128xi32, #tpu.memory_space<vmem>> -> memref<128xi32, #tpu.memory_space<vmem>>
    %dma_start3A_81 = arith.constant 0 : i32
    %dma_start3A_82 = arith.constant 0 : i32
    %dma_start3A_83 = tpu.memref_slice %arg6[%dma_start3A_81, %dma_start3A_82] : memref<100000x128xf32, #tpu.memory_space<hbm>> -> memref<100000x128xf32, #tpu.memory_space<hbm>>
    tpu.enqueue_indirect_dma source(%arg9 : memref<128x128xf32, #tpu.memory_space<vmem>>) target(%dma_start3A_83 : memref<100000x128xf32, #tpu.memory_space<hbm>>) offsets(%dma_start3A_80 : memref<128xi32, #tpu.memory_space<vmem>>) semaphore(%arg22 : memref<!tpu.dma_semaphore, #tpu.memory_space<semaphore_mem>>)
    %dma_start3A_84 = arith.constant 12 : i32
    %dma_start3A_85 = arith.constant 0 : i32
    %dma_start3A_86 = tpu.memref_slice %arg8[%dma_start3A_84, %dma_start3A_85] : memref<13x128xi32, #tpu.memory_space<vmem>> -> memref<1x128xi32, #tpu.memory_space<vmem>>
    %dma_start3A_87 = tpu.memref_squeeze %dma_start3A_86 : memref<1x128xi32, #tpu.memory_space<vmem>> -> memref<128xi32, #tpu.memory_space<vmem>>
    %dma_start3A_88 = arith.constant 0 : i32
    %dma_start3A_89 = arith.constant 0 : i32
    %dma_start3A_90 = tpu.memref_slice %arg6[%dma_start3A_88, %dma_start3A_89] : memref<100000x128xf32, #tpu.memory_space<hbm>> -> memref<100000x128xf32, #tpu.memory_space<hbm>>
    tpu.enqueue_indirect_dma source(%arg9 : memref<128x128xf32, #tpu.memory_space<vmem>>) target(%dma_start3A_90 : memref<100000x128xf32, #tpu.memory_space<hbm>>) offsets(%dma_start3A_87 : memref<128xi32, #tpu.memory_space<vmem>>) semaphore(%arg22 : memref<!tpu.dma_semaphore, #tpu.memory_space<semaphore_mem>>)
    %dma_start3A_91 = arith.constant 0 : i32
    %dma_start3A_92 = arith.constant 0 : i32
    %dma_start3A_93 = tpu.memref_slice %arg7[%dma_start3A_91, %dma_start3A_92] : memref<13x128xi32, #tpu.memory_space<vmem>> -> memref<1x128xi32, #tpu.memory_space<vmem>>
    %dma_start3A_94 = tpu.memref_squeeze %dma_start3A_93 : memref<1x128xi32, #tpu.memory_space<vmem>> -> memref<128xi32, #tpu.memory_space<vmem>>
    %dma_start3A_95 = arith.constant 0 : i32
    %dma_start3A_96 = arith.constant 0 : i32
    %dma_start3A_97 = tpu.memref_slice %arg2[%dma_start3A_95, %dma_start3A_96] : memref<100000x128xf32, #tpu.memory_space<hbm>> -> memref<100000x128xf32, #tpu.memory_space<hbm>>
    tpu.enqueue_indirect_dma source(%dma_start3A_97 : memref<100000x128xf32, #tpu.memory_space<hbm>>) target(%arg10 : memref<128x128xf32, #tpu.memory_space<vmem>>) offsets(%dma_start3A_94 : memref<128xi32, #tpu.memory_space<vmem>>) semaphore(%arg14 : memref<!tpu.dma_semaphore, #tpu.memory_space<semaphore_mem>>)
    %dma_start3A_98 = arith.constant 1 : i32
    %dma_start3A_99 = arith.constant 0 : i32
    %dma_start3A_100 = tpu.memref_slice %arg7[%dma_start3A_98, %dma_start3A_99] : memref<13x128xi32, #tpu.memory_space<vmem>> -> memref<1x128xi32, #tpu.memory_space<vmem>>
    %dma_start3A_101 = tpu.memref_squeeze %dma_start3A_100 : memref<1x128xi32, #tpu.memory_space<vmem>> -> memref<128xi32, #tpu.memory_space<vmem>>
    %dma_start3A_102 = arith.constant 0 : i32
    %dma_start3A_103 = arith.constant 0 : i32
    %dma_start3A_104 = tpu.memref_slice %arg2[%dma_start3A_102, %dma_start3A_103] : memref<100000x128xf32, #tpu.memory_space<hbm>> -> memref<100000x128xf32, #tpu.memory_space<hbm>>
    tpu.enqueue_indirect_dma source(%dma_start3A_104 : memref<100000x128xf32, #tpu.memory_space<hbm>>) target(%arg11 : memref<128x128xf32, #tpu.memory_space<vmem>>) offsets(%dma_start3A_101 : memref<128xi32, #tpu.memory_space<vmem>>) semaphore(%arg15 : memref<!tpu.dma_semaphore, #tpu.memory_space<semaphore_mem>>)
    %dma_wait3A = arith.constant 0 : i32
    %dma_wait3A_105 = arith.constant 0 : i32
    %dma_wait3A_106 = tpu.memref_slice %arg7[%dma_wait3A, %dma_wait3A_105] : memref<13x128xi32, #tpu.memory_space<vmem>> -> memref<1x128xi32, #tpu.memory_space<vmem>>
    %dma_wait3A_107 = tpu.memref_squeeze %dma_wait3A_106 : memref<1x128xi32, #tpu.memory_space<vmem>> -> memref<128xi32, #tpu.memory_space<vmem>>
    %dma_wait3A_108 = arith.constant 0 : i32
    %dma_wait3A_109 = arith.constant 0 : i32
    %dma_wait3A_110 = tpu.memref_slice %arg2[%dma_wait3A_108, %dma_wait3A_109] : memref<100000x128xf32, #tpu.memory_space<hbm>> -> memref<100000x128xf32, #tpu.memory_space<hbm>>
    tpu.wait_indirect_dma semaphore(%arg14 : memref<!tpu.dma_semaphore, #tpu.memory_space<semaphore_mem>>) src(%dma_wait3A_110 : memref<100000x128xf32, #tpu.memory_space<hbm>>) dst(%arg10 : memref<128x128xf32, #tpu.memory_space<vmem>>)
    %dma_start3A_111 = arith.constant 0 : i32
    %dma_start3A_112 = arith.constant 0 : i32
    %dma_start3A_113 = tpu.memref_slice %arg7[%dma_start3A_111, %dma_start3A_112] : memref<13x128xi32, #tpu.memory_space<vmem>> -> memref<1x128xi32, #tpu.memory_space<vmem>>
    %dma_start3A_114 = tpu.memref_squeeze %dma_start3A_113 : memref<1x128xi32, #tpu.memory_space<vmem>> -> memref<128xi32, #tpu.memory_space<vmem>>
    %dma_start3A_115 = arith.constant 0 : i32
    %dma_start3A_116 = arith.constant 0 : i32
    %dma_start3A_117 = tpu.memref_slice %arg6[%dma_start3A_115, %dma_start3A_116] : memref<100000x128xf32, #tpu.memory_space<hbm>> -> memref<100000x128xf32, #tpu.memory_space<hbm>>
    tpu.enqueue_indirect_dma source(%arg10 : memref<128x128xf32, #tpu.memory_space<vmem>>) target(%dma_start3A_117 : memref<100000x128xf32, #tpu.memory_space<hbm>>) offsets(%dma_start3A_114 : memref<128xi32, #tpu.memory_space<vmem>>) semaphore(%arg18 : memref<!tpu.dma_semaphore, #tpu.memory_space<semaphore_mem>>)
    %dma_start3A_118 = arith.constant 2 : i32
    %dma_start3A_119 = arith.constant 0 : i32
    %dma_start3A_120 = tpu.memref_slice %arg7[%dma_start3A_118, %dma_start3A_119] : memref<13x128xi32, #tpu.memory_space<vmem>> -> memref<1x128xi32, #tpu.memory_space<vmem>>
    %dma_start3A_121 = tpu.memref_squeeze %dma_start3A_120 : memref<1x128xi32, #tpu.memory_space<vmem>> -> memref<128xi32, #tpu.memory_space<vmem>>
    %dma_start3A_122 = arith.constant 0 : i32
    %dma_start3A_123 = arith.constant 0 : i32
    %dma_start3A_124 = tpu.memref_slice %arg2[%dma_start3A_122, %dma_start3A_123] : memref<100000x128xf32, #tpu.memory_space<hbm>> -> memref<100000x128xf32, #tpu.memory_space<hbm>>
    tpu.enqueue_indirect_dma source(%dma_start3A_124 : memref<100000x128xf32, #tpu.memory_space<hbm>>) target(%arg12 : memref<128x128xf32, #tpu.memory_space<vmem>>) offsets(%dma_start3A_121 : memref<128xi32, #tpu.memory_space<vmem>>) semaphore(%arg16 : memref<!tpu.dma_semaphore, #tpu.memory_space<semaphore_mem>>)
    %dma_wait3A_125 = arith.constant 1 : i32
    %dma_wait3A_126 = arith.constant 0 : i32
    %dma_wait3A_127 = tpu.memref_slice %arg7[%dma_wait3A_125, %dma_wait3A_126] : memref<13x128xi32, #tpu.memory_space<vmem>> -> memref<1x128xi32, #tpu.memory_space<vmem>>
    %dma_wait3A_128 = tpu.memref_squeeze %dma_wait3A_127 : memref<1x128xi32, #tpu.memory_space<vmem>> -> memref<128xi32, #tpu.memory_space<vmem>>
    %dma_wait3A_129 = arith.constant 0 : i32
    %dma_wait3A_130 = arith.constant 0 : i32
    %dma_wait3A_131 = tpu.memref_slice %arg2[%dma_wait3A_129, %dma_wait3A_130] : memref<100000x128xf32, #tpu.memory_space<hbm>> -> memref<100000x128xf32, #tpu.memory_space<hbm>>
    tpu.wait_indirect_dma semaphore(%arg15 : memref<!tpu.dma_semaphore, #tpu.memory_space<semaphore_mem>>) src(%dma_wait3A_131 : memref<100000x128xf32, #tpu.memory_space<hbm>>) dst(%arg11 : memref<128x128xf32, #tpu.memory_space<vmem>>)
    %dma_start3A_132 = arith.constant 1 : i32
    %dma_start3A_133 = arith.constant 0 : i32
    %dma_start3A_134 = tpu.memref_slice %arg7[%dma_start3A_132, %dma_start3A_133] : memref<13x128xi32, #tpu.memory_space<vmem>> -> memref<1x128xi32, #tpu.memory_space<vmem>>
    %dma_start3A_135 = tpu.memref_squeeze %dma_start3A_134 : memref<1x128xi32, #tpu.memory_space<vmem>> -> memref<128xi32, #tpu.memory_space<vmem>>
    %dma_start3A_136 = arith.constant 0 : i32
    %dma_start3A_137 = arith.constant 0 : i32
    %dma_start3A_138 = tpu.memref_slice %arg6[%dma_start3A_136, %dma_start3A_137] : memref<100000x128xf32, #tpu.memory_space<hbm>> -> memref<100000x128xf32, #tpu.memory_space<hbm>>
    tpu.enqueue_indirect_dma source(%arg11 : memref<128x128xf32, #tpu.memory_space<vmem>>) target(%dma_start3A_138 : memref<100000x128xf32, #tpu.memory_space<hbm>>) offsets(%dma_start3A_135 : memref<128xi32, #tpu.memory_space<vmem>>) semaphore(%arg19 : memref<!tpu.dma_semaphore, #tpu.memory_space<semaphore_mem>>)
    %dma_start3A_139 = arith.constant 3 : i32
    %dma_start3A_140 = arith.constant 0 : i32
    %dma_start3A_141 = tpu.memref_slice %arg7[%dma_start3A_139, %dma_start3A_140] : memref<13x128xi32, #tpu.memory_space<vmem>> -> memref<1x128xi32, #tpu.memory_space<vmem>>
    %dma_start3A_142 = tpu.memref_squeeze %dma_start3A_141 : memref<1x128xi32, #tpu.memory_space<vmem>> -> memref<128xi32, #tpu.memory_space<vmem>>
    %dma_start3A_143 = arith.constant 0 : i32
    %dma_start3A_144 = arith.constant 0 : i32
    %dma_start3A_145 = tpu.memref_slice %arg2[%dma_start3A_143, %dma_start3A_144] : memref<100000x128xf32, #tpu.memory_space<hbm>> -> memref<100000x128xf32, #tpu.memory_space<hbm>>
    tpu.enqueue_indirect_dma source(%dma_start3A_145 : memref<100000x128xf32, #tpu.memory_space<hbm>>) target(%arg13 : memref<128x128xf32, #tpu.memory_space<vmem>>) offsets(%dma_start3A_142 : memref<128xi32, #tpu.memory_space<vmem>>) semaphore(%arg17 : memref<!tpu.dma_semaphore, #tpu.memory_space<semaphore_mem>>)
    %dma_wait3A_146 = arith.constant 2 : i32
    %dma_wait3A_147 = arith.constant 0 : i32
    %dma_wait3A_148 = tpu.memref_slice %arg7[%dma_wait3A_146, %dma_wait3A_147] : memref<13x128xi32, #tpu.memory_space<vmem>> -> memref<1x128xi32, #tpu.memory_space<vmem>>
    %dma_wait3A_149 = tpu.memref_squeeze %dma_wait3A_148 : memref<1x128xi32, #tpu.memory_space<vmem>> -> memref<128xi32, #tpu.memory_space<vmem>>
    %dma_wait3A_150 = arith.constant 0 : i32
    %dma_wait3A_151 = arith.constant 0 : i32
    %dma_wait3A_152 = tpu.memref_slice %arg2[%dma_wait3A_150, %dma_wait3A_151] : memref<100000x128xf32, #tpu.memory_space<hbm>> -> memref<100000x128xf32, #tpu.memory_space<hbm>>
    tpu.wait_indirect_dma semaphore(%arg16 : memref<!tpu.dma_semaphore, #tpu.memory_space<semaphore_mem>>) src(%dma_wait3A_152 : memref<100000x128xf32, #tpu.memory_space<hbm>>) dst(%arg12 : memref<128x128xf32, #tpu.memory_space<vmem>>)
    %dma_start3A_153 = arith.constant 2 : i32
    %dma_start3A_154 = arith.constant 0 : i32
    %dma_start3A_155 = tpu.memref_slice %arg7[%dma_start3A_153, %dma_start3A_154] : memref<13x128xi32, #tpu.memory_space<vmem>> -> memref<1x128xi32, #tpu.memory_space<vmem>>
    %dma_start3A_156 = tpu.memref_squeeze %dma_start3A_155 : memref<1x128xi32, #tpu.memory_space<vmem>> -> memref<128xi32, #tpu.memory_space<vmem>>
    %dma_start3A_157 = arith.constant 0 : i32
    %dma_start3A_158 = arith.constant 0 : i32
    %dma_start3A_159 = tpu.memref_slice %arg6[%dma_start3A_157, %dma_start3A_158] : memref<100000x128xf32, #tpu.memory_space<hbm>> -> memref<100000x128xf32, #tpu.memory_space<hbm>>
    tpu.enqueue_indirect_dma source(%arg12 : memref<128x128xf32, #tpu.memory_space<vmem>>) target(%dma_start3A_159 : memref<100000x128xf32, #tpu.memory_space<hbm>>) offsets(%dma_start3A_156 : memref<128xi32, #tpu.memory_space<vmem>>) semaphore(%arg20 : memref<!tpu.dma_semaphore, #tpu.memory_space<semaphore_mem>>)
    %dma_wait3A_160 = arith.constant 0 : i32
    %dma_wait3A_161 = arith.constant 0 : i32
    %dma_wait3A_162 = tpu.memref_slice %arg7[%dma_wait3A_160, %dma_wait3A_161] : memref<13x128xi32, #tpu.memory_space<vmem>> -> memref<1x128xi32, #tpu.memory_space<vmem>>
    %dma_wait3A_163 = tpu.memref_squeeze %dma_wait3A_162 : memref<1x128xi32, #tpu.memory_space<vmem>> -> memref<128xi32, #tpu.memory_space<vmem>>
    %dma_wait3A_164 = arith.constant 0 : i32
    %dma_wait3A_165 = arith.constant 0 : i32
    %dma_wait3A_166 = tpu.memref_slice %arg6[%dma_wait3A_164, %dma_wait3A_165] : memref<100000x128xf32, #tpu.memory_space<hbm>> -> memref<100000x128xf32, #tpu.memory_space<hbm>>
    tpu.wait_indirect_dma semaphore(%arg18 : memref<!tpu.dma_semaphore, #tpu.memory_space<semaphore_mem>>) src(%arg10 : memref<128x128xf32, #tpu.memory_space<vmem>>) dst(%dma_wait3A_166 : memref<100000x128xf32, #tpu.memory_space<hbm>>)
    %dma_start3A_167 = arith.constant 4 : i32
    %dma_start3A_168 = arith.constant 0 : i32
    %dma_start3A_169 = tpu.memref_slice %arg7[%dma_start3A_167, %dma_start3A_168] : memref<13x128xi32, #tpu.memory_space<vmem>> -> memref<1x128xi32, #tpu.memory_space<vmem>>
    %dma_start3A_170 = tpu.memref_squeeze %dma_start3A_169 : memref<1x128xi32, #tpu.memory_space<vmem>> -> memref<128xi32, #tpu.memory_space<vmem>>
    %dma_start3A_171 = arith.constant 0 : i32
    %dma_start3A_172 = arith.constant 0 : i32
    %dma_start3A_173 = tpu.memref_slice %arg2[%dma_start3A_171, %dma_start3A_172] : memref<100000x128xf32, #tpu.memory_space<hbm>> -> memref<100000x128xf32, #tpu.memory_space<hbm>>
    tpu.enqueue_indirect_dma source(%dma_start3A_173 : memref<100000x128xf32, #tpu.memory_space<hbm>>) target(%arg10 : memref<128x128xf32, #tpu.memory_space<vmem>>) offsets(%dma_start3A_170 : memref<128xi32, #tpu.memory_space<vmem>>) semaphore(%arg14 : memref<!tpu.dma_semaphore, #tpu.memory_space<semaphore_mem>>)
    %dma_wait3A_174 = arith.constant 3 : i32
    %dma_wait3A_175 = arith.constant 0 : i32
    %dma_wait3A_176 = tpu.memref_slice %arg7[%dma_wait3A_174, %dma_wait3A_175] : memref<13x128xi32, #tpu.memory_space<vmem>> -> memref<1x128xi32, #tpu.memory_space<vmem>>
    %dma_wait3A_177 = tpu.memref_squeeze %dma_wait3A_176 : memref<1x128xi32, #tpu.memory_space<vmem>> -> memref<128xi32, #tpu.memory_space<vmem>>
    %dma_wait3A_178 = arith.constant 0 : i32
    %dma_wait3A_179 = arith.constant 0 : i32
    %dma_wait3A_180 = tpu.memref_slice %arg2[%dma_wait3A_178, %dma_wait3A_179] : memref<100000x128xf32, #tpu.memory_space<hbm>> -> memref<100000x128xf32, #tpu.memory_space<hbm>>
    tpu.wait_indirect_dma semaphore(%arg17 : memref<!tpu.dma_semaphore, #tpu.memory_space<semaphore_mem>>) src(%dma_wait3A_180 : memref<100000x128xf32, #tpu.memory_space<hbm>>) dst(%arg13 : memref<128x128xf32, #tpu.memory_space<vmem>>)
    %dma_start3A_181 = arith.constant 3 : i32
    %dma_start3A_182 = arith.constant 0 : i32
    %dma_start3A_183 = tpu.memref_slice %arg7[%dma_start3A_181, %dma_start3A_182] : memref<13x128xi32, #tpu.memory_space<vmem>> -> memref<1x128xi32, #tpu.memory_space<vmem>>
    %dma_start3A_184 = tpu.memref_squeeze %dma_start3A_183 : memref<1x128xi32, #tpu.memory_space<vmem>> -> memref<128xi32, #tpu.memory_space<vmem>>
    %dma_start3A_185 = arith.constant 0 : i32
    %dma_start3A_186 = arith.constant 0 : i32
    %dma_start3A_187 = tpu.memref_slice %arg6[%dma_start3A_185, %dma_start3A_186] : memref<100000x128xf32, #tpu.memory_space<hbm>> -> memref<100000x128xf32, #tpu.memory_space<hbm>>
    tpu.enqueue_indirect_dma source(%arg13 : memref<128x128xf32, #tpu.memory_space<vmem>>) target(%dma_start3A_187 : memref<100000x128xf32, #tpu.memory_space<hbm>>) offsets(%dma_start3A_184 : memref<128xi32, #tpu.memory_space<vmem>>) semaphore(%arg21 : memref<!tpu.dma_semaphore, #tpu.memory_space<semaphore_mem>>)
    %dma_wait3A_188 = arith.constant 1 : i32
    %dma_wait3A_189 = arith.constant 0 : i32
    %dma_wait3A_190 = tpu.memref_slice %arg7[%dma_wait3A_188, %dma_wait3A_189] : memref<13x128xi32, #tpu.memory_space<vmem>> -> memref<1x128xi32, #tpu.memory_space<vmem>>
    %dma_wait3A_191 = tpu.memref_squeeze %dma_wait3A_190 : memref<1x128xi32, #tpu.memory_space<vmem>> -> memref<128xi32, #tpu.memory_space<vmem>>
    %dma_wait3A_192 = arith.constant 0 : i32
    %dma_wait3A_193 = arith.constant 0 : i32
    %dma_wait3A_194 = tpu.memref_slice %arg6[%dma_wait3A_192, %dma_wait3A_193] : memref<100000x128xf32, #tpu.memory_space<hbm>> -> memref<100000x128xf32, #tpu.memory_space<hbm>>
    tpu.wait_indirect_dma semaphore(%arg19 : memref<!tpu.dma_semaphore, #tpu.memory_space<semaphore_mem>>) src(%arg11 : memref<128x128xf32, #tpu.memory_space<vmem>>) dst(%dma_wait3A_194 : memref<100000x128xf32, #tpu.memory_space<hbm>>)
    %dma_start3A_195 = arith.constant 5 : i32
    %dma_start3A_196 = arith.constant 0 : i32
    %dma_start3A_197 = tpu.memref_slice %arg7[%dma_start3A_195, %dma_start3A_196] : memref<13x128xi32, #tpu.memory_space<vmem>> -> memref<1x128xi32, #tpu.memory_space<vmem>>
    %dma_start3A_198 = tpu.memref_squeeze %dma_start3A_197 : memref<1x128xi32, #tpu.memory_space<vmem>> -> memref<128xi32, #tpu.memory_space<vmem>>
    %dma_start3A_199 = arith.constant 0 : i32
    %dma_start3A_200 = arith.constant 0 : i32
    %dma_start3A_201 = tpu.memref_slice %arg2[%dma_start3A_199, %dma_start3A_200] : memref<100000x128xf32, #tpu.memory_space<hbm>> -> memref<100000x128xf32, #tpu.memory_space<hbm>>
    tpu.enqueue_indirect_dma source(%dma_start3A_201 : memref<100000x128xf32, #tpu.memory_space<hbm>>) target(%arg11 : memref<128x128xf32, #tpu.memory_space<vmem>>) offsets(%dma_start3A_198 : memref<128xi32, #tpu.memory_space<vmem>>) semaphore(%arg15 : memref<!tpu.dma_semaphore, #tpu.memory_space<semaphore_mem>>)
    %dma_wait3A_202 = arith.constant 4 : i32
    %dma_wait3A_203 = arith.constant 0 : i32
    %dma_wait3A_204 = tpu.memref_slice %arg7[%dma_wait3A_202, %dma_wait3A_203] : memref<13x128xi32, #tpu.memory_space<vmem>> -> memref<1x128xi32, #tpu.memory_space<vmem>>
    %dma_wait3A_205 = tpu.memref_squeeze %dma_wait3A_204 : memref<1x128xi32, #tpu.memory_space<vmem>> -> memref<128xi32, #tpu.memory_space<vmem>>
    %dma_wait3A_206 = arith.constant 0 : i32
    %dma_wait3A_207 = arith.constant 0 : i32
    %dma_wait3A_208 = tpu.memref_slice %arg2[%dma_wait3A_206, %dma_wait3A_207] : memref<100000x128xf32, #tpu.memory_space<hbm>> -> memref<100000x128xf32, #tpu.memory_space<hbm>>
    tpu.wait_indirect_dma semaphore(%arg14 : memref<!tpu.dma_semaphore, #tpu.memory_space<semaphore_mem>>) src(%dma_wait3A_208 : memref<100000x128xf32, #tpu.memory_space<hbm>>) dst(%arg10 : memref<128x128xf32, #tpu.memory_space<vmem>>)
    %dma_start3A_209 = arith.constant 4 : i32
    %dma_start3A_210 = arith.constant 0 : i32
    %dma_start3A_211 = tpu.memref_slice %arg7[%dma_start3A_209, %dma_start3A_210] : memref<13x128xi32, #tpu.memory_space<vmem>> -> memref<1x128xi32, #tpu.memory_space<vmem>>
    %dma_start3A_212 = tpu.memref_squeeze %dma_start3A_211 : memref<1x128xi32, #tpu.memory_space<vmem>> -> memref<128xi32, #tpu.memory_space<vmem>>
    %dma_start3A_213 = arith.constant 0 : i32
    %dma_start3A_214 = arith.constant 0 : i32
    %dma_start3A_215 = tpu.memref_slice %arg6[%dma_start3A_213, %dma_start3A_214] : memref<100000x128xf32, #tpu.memory_space<hbm>> -> memref<100000x128xf32, #tpu.memory_space<hbm>>
    tpu.enqueue_indirect_dma source(%arg10 : memref<128x128xf32, #tpu.memory_space<vmem>>) target(%dma_start3A_215 : memref<100000x128xf32, #tpu.memory_space<hbm>>) offsets(%dma_start3A_212 : memref<128xi32, #tpu.memory_space<vmem>>) semaphore(%arg18 : memref<!tpu.dma_semaphore, #tpu.memory_space<semaphore_mem>>)
    %dma_wait3A_216 = arith.constant 2 : i32
    %dma_wait3A_217 = arith.constant 0 : i32
    %dma_wait3A_218 = tpu.memref_slice %arg7[%dma_wait3A_216, %dma_wait3A_217] : memref<13x128xi32, #tpu.memory_space<vmem>> -> memref<1x128xi32, #tpu.memory_space<vmem>>
    %dma_wait3A_219 = tpu.memref_squeeze %dma_wait3A_218 : memref<1x128xi32, #tpu.memory_space<vmem>> -> memref<128xi32, #tpu.memory_space<vmem>>
    %dma_wait3A_220 = arith.constant 0 : i32
    %dma_wait3A_221 = arith.constant 0 : i32
    %dma_wait3A_222 = tpu.memref_slice %arg6[%dma_wait3A_220, %dma_wait3A_221] : memref<100000x128xf32, #tpu.memory_space<hbm>> -> memref<100000x128xf32, #tpu.memory_space<hbm>>
    tpu.wait_indirect_dma semaphore(%arg20 : memref<!tpu.dma_semaphore, #tpu.memory_space<semaphore_mem>>) src(%arg12 : memref<128x128xf32, #tpu.memory_space<vmem>>) dst(%dma_wait3A_222 : memref<100000x128xf32, #tpu.memory_space<hbm>>)
    %dma_start3A_223 = arith.constant 6 : i32
    %dma_start3A_224 = arith.constant 0 : i32
    %dma_start3A_225 = tpu.memref_slice %arg7[%dma_start3A_223, %dma_start3A_224] : memref<13x128xi32, #tpu.memory_space<vmem>> -> memref<1x128xi32, #tpu.memory_space<vmem>>
    %dma_start3A_226 = tpu.memref_squeeze %dma_start3A_225 : memref<1x128xi32, #tpu.memory_space<vmem>> -> memref<128xi32, #tpu.memory_space<vmem>>
    %dma_start3A_227 = arith.constant 0 : i32
    %dma_start3A_228 = arith.constant 0 : i32
    %dma_start3A_229 = tpu.memref_slice %arg2[%dma_start3A_227, %dma_start3A_228] : memref<100000x128xf32, #tpu.memory_space<hbm>> -> memref<100000x128xf32, #tpu.memory_space<hbm>>
    tpu.enqueue_indirect_dma source(%dma_start3A_229 : memref<100000x128xf32, #tpu.memory_space<hbm>>) target(%arg12 : memref<128x128xf32, #tpu.memory_space<vmem>>) offsets(%dma_start3A_226 : memref<128xi32, #tpu.memory_space<vmem>>) semaphore(%arg16 : memref<!tpu.dma_semaphore, #tpu.memory_space<semaphore_mem>>)
    %dma_wait3A_230 = arith.constant 5 : i32
    %dma_wait3A_231 = arith.constant 0 : i32
    %dma_wait3A_232 = tpu.memref_slice %arg7[%dma_wait3A_230, %dma_wait3A_231] : memref<13x128xi32, #tpu.memory_space<vmem>> -> memref<1x128xi32, #tpu.memory_space<vmem>>
    %dma_wait3A_233 = tpu.memref_squeeze %dma_wait3A_232 : memref<1x128xi32, #tpu.memory_space<vmem>> -> memref<128xi32, #tpu.memory_space<vmem>>
    %dma_wait3A_234 = arith.constant 0 : i32
    %dma_wait3A_235 = arith.constant 0 : i32
    %dma_wait3A_236 = tpu.memref_slice %arg2[%dma_wait3A_234, %dma_wait3A_235] : memref<100000x128xf32, #tpu.memory_space<hbm>> -> memref<100000x128xf32, #tpu.memory_space<hbm>>
    tpu.wait_indirect_dma semaphore(%arg15 : memref<!tpu.dma_semaphore, #tpu.memory_space<semaphore_mem>>) src(%dma_wait3A_236 : memref<100000x128xf32, #tpu.memory_space<hbm>>) dst(%arg11 : memref<128x128xf32, #tpu.memory_space<vmem>>)
    %dma_start3A_237 = arith.constant 5 : i32
    %dma_start3A_238 = arith.constant 0 : i32
    %dma_start3A_239 = tpu.memref_slice %arg7[%dma_start3A_237, %dma_start3A_238] : memref<13x128xi32, #tpu.memory_space<vmem>> -> memref<1x128xi32, #tpu.memory_space<vmem>>
    %dma_start3A_240 = tpu.memref_squeeze %dma_start3A_239 : memref<1x128xi32, #tpu.memory_space<vmem>> -> memref<128xi32, #tpu.memory_space<vmem>>
    %dma_start3A_241 = arith.constant 0 : i32
    %dma_start3A_242 = arith.constant 0 : i32
    %dma_start3A_243 = tpu.memref_slice %arg6[%dma_start3A_241, %dma_start3A_242] : memref<100000x128xf32, #tpu.memory_space<hbm>> -> memref<100000x128xf32, #tpu.memory_space<hbm>>
    tpu.enqueue_indirect_dma source(%arg11 : memref<128x128xf32, #tpu.memory_space<vmem>>) target(%dma_start3A_243 : memref<100000x128xf32, #tpu.memory_space<hbm>>) offsets(%dma_start3A_240 : memref<128xi32, #tpu.memory_space<vmem>>) semaphore(%arg19 : memref<!tpu.dma_semaphore, #tpu.memory_space<semaphore_mem>>)
    %dma_wait3A_244 = arith.constant 3 : i32
    %dma_wait3A_245 = arith.constant 0 : i32
    %dma_wait3A_246 = tpu.memref_slice %arg7[%dma_wait3A_244, %dma_wait3A_245] : memref<13x128xi32, #tpu.memory_space<vmem>> -> memref<1x128xi32, #tpu.memory_space<vmem>>
    %dma_wait3A_247 = tpu.memref_squeeze %dma_wait3A_246 : memref<1x128xi32, #tpu.memory_space<vmem>> -> memref<128xi32, #tpu.memory_space<vmem>>
    %dma_wait3A_248 = arith.constant 0 : i32
    %dma_wait3A_249 = arith.constant 0 : i32
    %dma_wait3A_250 = tpu.memref_slice %arg6[%dma_wait3A_248, %dma_wait3A_249] : memref<100000x128xf32, #tpu.memory_space<hbm>> -> memref<100000x128xf32, #tpu.memory_space<hbm>>
    tpu.wait_indirect_dma semaphore(%arg21 : memref<!tpu.dma_semaphore, #tpu.memory_space<semaphore_mem>>) src(%arg13 : memref<128x128xf32, #tpu.memory_space<vmem>>) dst(%dma_wait3A_250 : memref<100000x128xf32, #tpu.memory_space<hbm>>)
    %dma_start3A_251 = arith.constant 7 : i32
    %dma_start3A_252 = arith.constant 0 : i32
    %dma_start3A_253 = tpu.memref_slice %arg7[%dma_start3A_251, %dma_start3A_252] : memref<13x128xi32, #tpu.memory_space<vmem>> -> memref<1x128xi32, #tpu.memory_space<vmem>>
    %dma_start3A_254 = tpu.memref_squeeze %dma_start3A_253 : memref<1x128xi32, #tpu.memory_space<vmem>> -> memref<128xi32, #tpu.memory_space<vmem>>
    %dma_start3A_255 = arith.constant 0 : i32
    %dma_start3A_256 = arith.constant 0 : i32
    %dma_start3A_257 = tpu.memref_slice %arg2[%dma_start3A_255, %dma_start3A_256] : memref<100000x128xf32, #tpu.memory_space<hbm>> -> memref<100000x128xf32, #tpu.memory_space<hbm>>
    tpu.enqueue_indirect_dma source(%dma_start3A_257 : memref<100000x128xf32, #tpu.memory_space<hbm>>) target(%arg13 : memref<128x128xf32, #tpu.memory_space<vmem>>) offsets(%dma_start3A_254 : memref<128xi32, #tpu.memory_space<vmem>>) semaphore(%arg17 : memref<!tpu.dma_semaphore, #tpu.memory_space<semaphore_mem>>)
    %dma_wait3A_258 = arith.constant 6 : i32
    %dma_wait3A_259 = arith.constant 0 : i32
    %dma_wait3A_260 = tpu.memref_slice %arg7[%dma_wait3A_258, %dma_wait3A_259] : memref<13x128xi32, #tpu.memory_space<vmem>> -> memref<1x128xi32, #tpu.memory_space<vmem>>
    %dma_wait3A_261 = tpu.memref_squeeze %dma_wait3A_260 : memref<1x128xi32, #tpu.memory_space<vmem>> -> memref<128xi32, #tpu.memory_space<vmem>>
    %dma_wait3A_262 = arith.constant 0 : i32
    %dma_wait3A_263 = arith.constant 0 : i32
    %dma_wait3A_264 = tpu.memref_slice %arg2[%dma_wait3A_262, %dma_wait3A_263] : memref<100000x128xf32, #tpu.memory_space<hbm>> -> memref<100000x128xf32, #tpu.memory_space<hbm>>
    tpu.wait_indirect_dma semaphore(%arg16 : memref<!tpu.dma_semaphore, #tpu.memory_space<semaphore_mem>>) src(%dma_wait3A_264 : memref<100000x128xf32, #tpu.memory_space<hbm>>) dst(%arg12 : memref<128x128xf32, #tpu.memory_space<vmem>>)
    %dma_start3A_265 = arith.constant 6 : i32
    %dma_start3A_266 = arith.constant 0 : i32
    %dma_start3A_267 = tpu.memref_slice %arg7[%dma_start3A_265, %dma_start3A_266] : memref<13x128xi32, #tpu.memory_space<vmem>> -> memref<1x128xi32, #tpu.memory_space<vmem>>
    %dma_start3A_268 = tpu.memref_squeeze %dma_start3A_267 : memref<1x128xi32, #tpu.memory_space<vmem>> -> memref<128xi32, #tpu.memory_space<vmem>>
    %dma_start3A_269 = arith.constant 0 : i32
    %dma_start3A_270 = arith.constant 0 : i32
    %dma_start3A_271 = tpu.memref_slice %arg6[%dma_start3A_269, %dma_start3A_270] : memref<100000x128xf32, #tpu.memory_space<hbm>> -> memref<100000x128xf32, #tpu.memory_space<hbm>>
    tpu.enqueue_indirect_dma source(%arg12 : memref<128x128xf32, #tpu.memory_space<vmem>>) target(%dma_start3A_271 : memref<100000x128xf32, #tpu.memory_space<hbm>>) offsets(%dma_start3A_268 : memref<128xi32, #tpu.memory_space<vmem>>) semaphore(%arg20 : memref<!tpu.dma_semaphore, #tpu.memory_space<semaphore_mem>>)
    %dma_wait3A_272 = arith.constant 4 : i32
    %dma_wait3A_273 = arith.constant 0 : i32
    %dma_wait3A_274 = tpu.memref_slice %arg7[%dma_wait3A_272, %dma_wait3A_273] : memref<13x128xi32, #tpu.memory_space<vmem>> -> memref<1x128xi32, #tpu.memory_space<vmem>>
    %dma_wait3A_275 = tpu.memref_squeeze %dma_wait3A_274 : memref<1x128xi32, #tpu.memory_space<vmem>> -> memref<128xi32, #tpu.memory_space<vmem>>
    %dma_wait3A_276 = arith.constant 0 : i32
    %dma_wait3A_277 = arith.constant 0 : i32
    %dma_wait3A_278 = tpu.memref_slice %arg6[%dma_wait3A_276, %dma_wait3A_277] : memref<100000x128xf32, #tpu.memory_space<hbm>> -> memref<100000x128xf32, #tpu.memory_space<hbm>>
    tpu.wait_indirect_dma semaphore(%arg18 : memref<!tpu.dma_semaphore, #tpu.memory_space<semaphore_mem>>) src(%arg10 : memref<128x128xf32, #tpu.memory_space<vmem>>) dst(%dma_wait3A_278 : memref<100000x128xf32, #tpu.memory_space<hbm>>)
    %dma_start3A_279 = arith.constant 8 : i32
    %dma_start3A_280 = arith.constant 0 : i32
    %dma_start3A_281 = tpu.memref_slice %arg7[%dma_start3A_279, %dma_start3A_280] : memref<13x128xi32, #tpu.memory_space<vmem>> -> memref<1x128xi32, #tpu.memory_space<vmem>>
    %dma_start3A_282 = tpu.memref_squeeze %dma_start3A_281 : memref<1x128xi32, #tpu.memory_space<vmem>> -> memref<128xi32, #tpu.memory_space<vmem>>
    %dma_start3A_283 = arith.constant 0 : i32
    %dma_start3A_284 = arith.constant 0 : i32
    %dma_start3A_285 = tpu.memref_slice %arg2[%dma_start3A_283, %dma_start3A_284] : memref<100000x128xf32, #tpu.memory_space<hbm>> -> memref<100000x128xf32, #tpu.memory_space<hbm>>
    tpu.enqueue_indirect_dma source(%dma_start3A_285 : memref<100000x128xf32, #tpu.memory_space<hbm>>) target(%arg10 : memref<128x128xf32, #tpu.memory_space<vmem>>) offsets(%dma_start3A_282 : memref<128xi32, #tpu.memory_space<vmem>>) semaphore(%arg14 : memref<!tpu.dma_semaphore, #tpu.memory_space<semaphore_mem>>)
    %dma_wait3A_286 = arith.constant 7 : i32
    %dma_wait3A_287 = arith.constant 0 : i32
    %dma_wait3A_288 = tpu.memref_slice %arg7[%dma_wait3A_286, %dma_wait3A_287] : memref<13x128xi32, #tpu.memory_space<vmem>> -> memref<1x128xi32, #tpu.memory_space<vmem>>
    %dma_wait3A_289 = tpu.memref_squeeze %dma_wait3A_288 : memref<1x128xi32, #tpu.memory_space<vmem>> -> memref<128xi32, #tpu.memory_space<vmem>>
    %dma_wait3A_290 = arith.constant 0 : i32
    %dma_wait3A_291 = arith.constant 0 : i32
    %dma_wait3A_292 = tpu.memref_slice %arg2[%dma_wait3A_290, %dma_wait3A_291] : memref<100000x128xf32, #tpu.memory_space<hbm>> -> memref<100000x128xf32, #tpu.memory_space<hbm>>
    tpu.wait_indirect_dma semaphore(%arg17 : memref<!tpu.dma_semaphore, #tpu.memory_space<semaphore_mem>>) src(%dma_wait3A_292 : memref<100000x128xf32, #tpu.memory_space<hbm>>) dst(%arg13 : memref<128x128xf32, #tpu.memory_space<vmem>>)
    %dma_start3A_293 = arith.constant 7 : i32
    %dma_start3A_294 = arith.constant 0 : i32
    %dma_start3A_295 = tpu.memref_slice %arg7[%dma_start3A_293, %dma_start3A_294] : memref<13x128xi32, #tpu.memory_space<vmem>> -> memref<1x128xi32, #tpu.memory_space<vmem>>
    %dma_start3A_296 = tpu.memref_squeeze %dma_start3A_295 : memref<1x128xi32, #tpu.memory_space<vmem>> -> memref<128xi32, #tpu.memory_space<vmem>>
    %dma_start3A_297 = arith.constant 0 : i32
    %dma_start3A_298 = arith.constant 0 : i32
    %dma_start3A_299 = tpu.memref_slice %arg6[%dma_start3A_297, %dma_start3A_298] : memref<100000x128xf32, #tpu.memory_space<hbm>> -> memref<100000x128xf32, #tpu.memory_space<hbm>>
    tpu.enqueue_indirect_dma source(%arg13 : memref<128x128xf32, #tpu.memory_space<vmem>>) target(%dma_start3A_299 : memref<100000x128xf32, #tpu.memory_space<hbm>>) offsets(%dma_start3A_296 : memref<128xi32, #tpu.memory_space<vmem>>) semaphore(%arg21 : memref<!tpu.dma_semaphore, #tpu.memory_space<semaphore_mem>>)
    %dma_wait3A_300 = arith.constant 5 : i32
    %dma_wait3A_301 = arith.constant 0 : i32
    %dma_wait3A_302 = tpu.memref_slice %arg7[%dma_wait3A_300, %dma_wait3A_301] : memref<13x128xi32, #tpu.memory_space<vmem>> -> memref<1x128xi32, #tpu.memory_space<vmem>>
    %dma_wait3A_303 = tpu.memref_squeeze %dma_wait3A_302 : memref<1x128xi32, #tpu.memory_space<vmem>> -> memref<128xi32, #tpu.memory_space<vmem>>
    %dma_wait3A_304 = arith.constant 0 : i32
    %dma_wait3A_305 = arith.constant 0 : i32
    %dma_wait3A_306 = tpu.memref_slice %arg6[%dma_wait3A_304, %dma_wait3A_305] : memref<100000x128xf32, #tpu.memory_space<hbm>> -> memref<100000x128xf32, #tpu.memory_space<hbm>>
    tpu.wait_indirect_dma semaphore(%arg19 : memref<!tpu.dma_semaphore, #tpu.memory_space<semaphore_mem>>) src(%arg11 : memref<128x128xf32, #tpu.memory_space<vmem>>) dst(%dma_wait3A_306 : memref<100000x128xf32, #tpu.memory_space<hbm>>)
    %dma_start3A_307 = arith.constant 9 : i32
    %dma_start3A_308 = arith.constant 0 : i32
    %dma_start3A_309 = tpu.memref_slice %arg7[%dma_start3A_307, %dma_start3A_308] : memref<13x128xi32, #tpu.memory_space<vmem>> -> memref<1x128xi32, #tpu.memory_space<vmem>>
    %dma_start3A_310 = tpu.memref_squeeze %dma_start3A_309 : memref<1x128xi32, #tpu.memory_space<vmem>> -> memref<128xi32, #tpu.memory_space<vmem>>
    %dma_start3A_311 = arith.constant 0 : i32
    %dma_start3A_312 = arith.constant 0 : i32
    %dma_start3A_313 = tpu.memref_slice %arg2[%dma_start3A_311, %dma_start3A_312] : memref<100000x128xf32, #tpu.memory_space<hbm>> -> memref<100000x128xf32, #tpu.memory_space<hbm>>
    tpu.enqueue_indirect_dma source(%dma_start3A_313 : memref<100000x128xf32, #tpu.memory_space<hbm>>) target(%arg11 : memref<128x128xf32, #tpu.memory_space<vmem>>) offsets(%dma_start3A_310 : memref<128xi32, #tpu.memory_space<vmem>>) semaphore(%arg15 : memref<!tpu.dma_semaphore, #tpu.memory_space<semaphore_mem>>)
    %dma_wait3A_314 = arith.constant 8 : i32
    %dma_wait3A_315 = arith.constant 0 : i32
    %dma_wait3A_316 = tpu.memref_slice %arg7[%dma_wait3A_314, %dma_wait3A_315] : memref<13x128xi32, #tpu.memory_space<vmem>> -> memref<1x128xi32, #tpu.memory_space<vmem>>
    %dma_wait3A_317 = tpu.memref_squeeze %dma_wait3A_316 : memref<1x128xi32, #tpu.memory_space<vmem>> -> memref<128xi32, #tpu.memory_space<vmem>>
    %dma_wait3A_318 = arith.constant 0 : i32
    %dma_wait3A_319 = arith.constant 0 : i32
    %dma_wait3A_320 = tpu.memref_slice %arg2[%dma_wait3A_318, %dma_wait3A_319] : memref<100000x128xf32, #tpu.memory_space<hbm>> -> memref<100000x128xf32, #tpu.memory_space<hbm>>
    tpu.wait_indirect_dma semaphore(%arg14 : memref<!tpu.dma_semaphore, #tpu.memory_space<semaphore_mem>>) src(%dma_wait3A_320 : memref<100000x128xf32, #tpu.memory_space<hbm>>) dst(%arg10 : memref<128x128xf32, #tpu.memory_space<vmem>>)
    %dma_start3A_321 = arith.constant 8 : i32
    %dma_start3A_322 = arith.constant 0 : i32
    %dma_start3A_323 = tpu.memref_slice %arg7[%dma_start3A_321, %dma_start3A_322] : memref<13x128xi32, #tpu.memory_space<vmem>> -> memref<1x128xi32, #tpu.memory_space<vmem>>
    %dma_start3A_324 = tpu.memref_squeeze %dma_start3A_323 : memref<1x128xi32, #tpu.memory_space<vmem>> -> memref<128xi32, #tpu.memory_space<vmem>>
    %dma_start3A_325 = arith.constant 0 : i32
    %dma_start3A_326 = arith.constant 0 : i32
    %dma_start3A_327 = tpu.memref_slice %arg6[%dma_start3A_325, %dma_start3A_326] : memref<100000x128xf32, #tpu.memory_space<hbm>> -> memref<100000x128xf32, #tpu.memory_space<hbm>>
    tpu.enqueue_indirect_dma source(%arg10 : memref<128x128xf32, #tpu.memory_space<vmem>>) target(%dma_start3A_327 : memref<100000x128xf32, #tpu.memory_space<hbm>>) offsets(%dma_start3A_324 : memref<128xi32, #tpu.memory_space<vmem>>) semaphore(%arg18 : memref<!tpu.dma_semaphore, #tpu.memory_space<semaphore_mem>>)
    %dma_wait3A_328 = arith.constant 6 : i32
    %dma_wait3A_329 = arith.constant 0 : i32
    %dma_wait3A_330 = tpu.memref_slice %arg7[%dma_wait3A_328, %dma_wait3A_329] : memref<13x128xi32, #tpu.memory_space<vmem>> -> memref<1x128xi32, #tpu.memory_space<vmem>>
    %dma_wait3A_331 = tpu.memref_squeeze %dma_wait3A_330 : memref<1x128xi32, #tpu.memory_space<vmem>> -> memref<128xi32, #tpu.memory_space<vmem>>
    %dma_wait3A_332 = arith.constant 0 : i32
    %dma_wait3A_333 = arith.constant 0 : i32
    %dma_wait3A_334 = tpu.memref_slice %arg6[%dma_wait3A_332, %dma_wait3A_333] : memref<100000x128xf32, #tpu.memory_space<hbm>> -> memref<100000x128xf32, #tpu.memory_space<hbm>>
    tpu.wait_indirect_dma semaphore(%arg20 : memref<!tpu.dma_semaphore, #tpu.memory_space<semaphore_mem>>) src(%arg12 : memref<128x128xf32, #tpu.memory_space<vmem>>) dst(%dma_wait3A_334 : memref<100000x128xf32, #tpu.memory_space<hbm>>)
    %dma_start3A_335 = arith.constant 10 : i32
    %dma_start3A_336 = arith.constant 0 : i32
    %dma_start3A_337 = tpu.memref_slice %arg7[%dma_start3A_335, %dma_start3A_336] : memref<13x128xi32, #tpu.memory_space<vmem>> -> memref<1x128xi32, #tpu.memory_space<vmem>>
    %dma_start3A_338 = tpu.memref_squeeze %dma_start3A_337 : memref<1x128xi32, #tpu.memory_space<vmem>> -> memref<128xi32, #tpu.memory_space<vmem>>
    %dma_start3A_339 = arith.constant 0 : i32
    %dma_start3A_340 = arith.constant 0 : i32
    %dma_start3A_341 = tpu.memref_slice %arg2[%dma_start3A_339, %dma_start3A_340] : memref<100000x128xf32, #tpu.memory_space<hbm>> -> memref<100000x128xf32, #tpu.memory_space<hbm>>
    tpu.enqueue_indirect_dma source(%dma_start3A_341 : memref<100000x128xf32, #tpu.memory_space<hbm>>) target(%arg12 : memref<128x128xf32, #tpu.memory_space<vmem>>) offsets(%dma_start3A_338 : memref<128xi32, #tpu.memory_space<vmem>>) semaphore(%arg16 : memref<!tpu.dma_semaphore, #tpu.memory_space<semaphore_mem>>)
    %dma_wait3A_342 = arith.constant 9 : i32
    %dma_wait3A_343 = arith.constant 0 : i32
    %dma_wait3A_344 = tpu.memref_slice %arg7[%dma_wait3A_342, %dma_wait3A_343] : memref<13x128xi32, #tpu.memory_space<vmem>> -> memref<1x128xi32, #tpu.memory_space<vmem>>
    %dma_wait3A_345 = tpu.memref_squeeze %dma_wait3A_344 : memref<1x128xi32, #tpu.memory_space<vmem>> -> memref<128xi32, #tpu.memory_space<vmem>>
    %dma_wait3A_346 = arith.constant 0 : i32
    %dma_wait3A_347 = arith.constant 0 : i32
    %dma_wait3A_348 = tpu.memref_slice %arg2[%dma_wait3A_346, %dma_wait3A_347] : memref<100000x128xf32, #tpu.memory_space<hbm>> -> memref<100000x128xf32, #tpu.memory_space<hbm>>
    tpu.wait_indirect_dma semaphore(%arg15 : memref<!tpu.dma_semaphore, #tpu.memory_space<semaphore_mem>>) src(%dma_wait3A_348 : memref<100000x128xf32, #tpu.memory_space<hbm>>) dst(%arg11 : memref<128x128xf32, #tpu.memory_space<vmem>>)
    %dma_start3A_349 = arith.constant 9 : i32
    %dma_start3A_350 = arith.constant 0 : i32
    %dma_start3A_351 = tpu.memref_slice %arg7[%dma_start3A_349, %dma_start3A_350] : memref<13x128xi32, #tpu.memory_space<vmem>> -> memref<1x128xi32, #tpu.memory_space<vmem>>
    %dma_start3A_352 = tpu.memref_squeeze %dma_start3A_351 : memref<1x128xi32, #tpu.memory_space<vmem>> -> memref<128xi32, #tpu.memory_space<vmem>>
    %dma_start3A_353 = arith.constant 0 : i32
    %dma_start3A_354 = arith.constant 0 : i32
    %dma_start3A_355 = tpu.memref_slice %arg6[%dma_start3A_353, %dma_start3A_354] : memref<100000x128xf32, #tpu.memory_space<hbm>> -> memref<100000x128xf32, #tpu.memory_space<hbm>>
    tpu.enqueue_indirect_dma source(%arg11 : memref<128x128xf32, #tpu.memory_space<vmem>>) target(%dma_start3A_355 : memref<100000x128xf32, #tpu.memory_space<hbm>>) offsets(%dma_start3A_352 : memref<128xi32, #tpu.memory_space<vmem>>) semaphore(%arg19 : memref<!tpu.dma_semaphore, #tpu.memory_space<semaphore_mem>>)
    %dma_wait3A_356 = arith.constant 7 : i32
    %dma_wait3A_357 = arith.constant 0 : i32
    %dma_wait3A_358 = tpu.memref_slice %arg7[%dma_wait3A_356, %dma_wait3A_357] : memref<13x128xi32, #tpu.memory_space<vmem>> -> memref<1x128xi32, #tpu.memory_space<vmem>>
    %dma_wait3A_359 = tpu.memref_squeeze %dma_wait3A_358 : memref<1x128xi32, #tpu.memory_space<vmem>> -> memref<128xi32, #tpu.memory_space<vmem>>
    %dma_wait3A_360 = arith.constant 0 : i32
    %dma_wait3A_361 = arith.constant 0 : i32
    %dma_wait3A_362 = tpu.memref_slice %arg6[%dma_wait3A_360, %dma_wait3A_361] : memref<100000x128xf32, #tpu.memory_space<hbm>> -> memref<100000x128xf32, #tpu.memory_space<hbm>>
    tpu.wait_indirect_dma semaphore(%arg21 : memref<!tpu.dma_semaphore, #tpu.memory_space<semaphore_mem>>) src(%arg13 : memref<128x128xf32, #tpu.memory_space<vmem>>) dst(%dma_wait3A_362 : memref<100000x128xf32, #tpu.memory_space<hbm>>)
    %dma_start3A_363 = arith.constant 11 : i32
    %dma_start3A_364 = arith.constant 0 : i32
    %dma_start3A_365 = tpu.memref_slice %arg7[%dma_start3A_363, %dma_start3A_364] : memref<13x128xi32, #tpu.memory_space<vmem>> -> memref<1x128xi32, #tpu.memory_space<vmem>>
    %dma_start3A_366 = tpu.memref_squeeze %dma_start3A_365 : memref<1x128xi32, #tpu.memory_space<vmem>> -> memref<128xi32, #tpu.memory_space<vmem>>
    %dma_start3A_367 = arith.constant 0 : i32
    %dma_start3A_368 = arith.constant 0 : i32
    %dma_start3A_369 = tpu.memref_slice %arg2[%dma_start3A_367, %dma_start3A_368] : memref<100000x128xf32, #tpu.memory_space<hbm>> -> memref<100000x128xf32, #tpu.memory_space<hbm>>
    tpu.enqueue_indirect_dma source(%dma_start3A_369 : memref<100000x128xf32, #tpu.memory_space<hbm>>) target(%arg13 : memref<128x128xf32, #tpu.memory_space<vmem>>) offsets(%dma_start3A_366 : memref<128xi32, #tpu.memory_space<vmem>>) semaphore(%arg17 : memref<!tpu.dma_semaphore, #tpu.memory_space<semaphore_mem>>)
    %dma_wait3A_370 = arith.constant 10 : i32
    %dma_wait3A_371 = arith.constant 0 : i32
    %dma_wait3A_372 = tpu.memref_slice %arg7[%dma_wait3A_370, %dma_wait3A_371] : memref<13x128xi32, #tpu.memory_space<vmem>> -> memref<1x128xi32, #tpu.memory_space<vmem>>
    %dma_wait3A_373 = tpu.memref_squeeze %dma_wait3A_372 : memref<1x128xi32, #tpu.memory_space<vmem>> -> memref<128xi32, #tpu.memory_space<vmem>>
    %dma_wait3A_374 = arith.constant 0 : i32
    %dma_wait3A_375 = arith.constant 0 : i32
    %dma_wait3A_376 = tpu.memref_slice %arg2[%dma_wait3A_374, %dma_wait3A_375] : memref<100000x128xf32, #tpu.memory_space<hbm>> -> memref<100000x128xf32, #tpu.memory_space<hbm>>
    tpu.wait_indirect_dma semaphore(%arg16 : memref<!tpu.dma_semaphore, #tpu.memory_space<semaphore_mem>>) src(%dma_wait3A_376 : memref<100000x128xf32, #tpu.memory_space<hbm>>) dst(%arg12 : memref<128x128xf32, #tpu.memory_space<vmem>>)
    %dma_start3A_377 = arith.constant 10 : i32
    %dma_start3A_378 = arith.constant 0 : i32
    %dma_start3A_379 = tpu.memref_slice %arg7[%dma_start3A_377, %dma_start3A_378] : memref<13x128xi32, #tpu.memory_space<vmem>> -> memref<1x128xi32, #tpu.memory_space<vmem>>
    %dma_start3A_380 = tpu.memref_squeeze %dma_start3A_379 : memref<1x128xi32, #tpu.memory_space<vmem>> -> memref<128xi32, #tpu.memory_space<vmem>>
    %dma_start3A_381 = arith.constant 0 : i32
    %dma_start3A_382 = arith.constant 0 : i32
    %dma_start3A_383 = tpu.memref_slice %arg6[%dma_start3A_381, %dma_start3A_382] : memref<100000x128xf32, #tpu.memory_space<hbm>> -> memref<100000x128xf32, #tpu.memory_space<hbm>>
    tpu.enqueue_indirect_dma source(%arg12 : memref<128x128xf32, #tpu.memory_space<vmem>>) target(%dma_start3A_383 : memref<100000x128xf32, #tpu.memory_space<hbm>>) offsets(%dma_start3A_380 : memref<128xi32, #tpu.memory_space<vmem>>) semaphore(%arg20 : memref<!tpu.dma_semaphore, #tpu.memory_space<semaphore_mem>>)
    %dma_wait3A_384 = arith.constant 8 : i32
    %dma_wait3A_385 = arith.constant 0 : i32
    %dma_wait3A_386 = tpu.memref_slice %arg7[%dma_wait3A_384, %dma_wait3A_385] : memref<13x128xi32, #tpu.memory_space<vmem>> -> memref<1x128xi32, #tpu.memory_space<vmem>>
    %dma_wait3A_387 = tpu.memref_squeeze %dma_wait3A_386 : memref<1x128xi32, #tpu.memory_space<vmem>> -> memref<128xi32, #tpu.memory_space<vmem>>
    %dma_wait3A_388 = arith.constant 0 : i32
    %dma_wait3A_389 = arith.constant 0 : i32
    %dma_wait3A_390 = tpu.memref_slice %arg6[%dma_wait3A_388, %dma_wait3A_389] : memref<100000x128xf32, #tpu.memory_space<hbm>> -> memref<100000x128xf32, #tpu.memory_space<hbm>>
    tpu.wait_indirect_dma semaphore(%arg18 : memref<!tpu.dma_semaphore, #tpu.memory_space<semaphore_mem>>) src(%arg10 : memref<128x128xf32, #tpu.memory_space<vmem>>) dst(%dma_wait3A_390 : memref<100000x128xf32, #tpu.memory_space<hbm>>)
    %dma_start3A_391 = arith.constant 12 : i32
    %dma_start3A_392 = arith.constant 0 : i32
    %dma_start3A_393 = tpu.memref_slice %arg7[%dma_start3A_391, %dma_start3A_392] : memref<13x128xi32, #tpu.memory_space<vmem>> -> memref<1x128xi32, #tpu.memory_space<vmem>>
    %dma_start3A_394 = tpu.memref_squeeze %dma_start3A_393 : memref<1x128xi32, #tpu.memory_space<vmem>> -> memref<128xi32, #tpu.memory_space<vmem>>
    %dma_start3A_395 = arith.constant 0 : i32
    %dma_start3A_396 = arith.constant 0 : i32
    %dma_start3A_397 = tpu.memref_slice %arg2[%dma_start3A_395, %dma_start3A_396] : memref<100000x128xf32, #tpu.memory_space<hbm>> -> memref<100000x128xf32, #tpu.memory_space<hbm>>
    tpu.enqueue_indirect_dma source(%dma_start3A_397 : memref<100000x128xf32, #tpu.memory_space<hbm>>) target(%arg10 : memref<128x128xf32, #tpu.memory_space<vmem>>) offsets(%dma_start3A_394 : memref<128xi32, #tpu.memory_space<vmem>>) semaphore(%arg14 : memref<!tpu.dma_semaphore, #tpu.memory_space<semaphore_mem>>)
    %dma_wait3A_398 = arith.constant 11 : i32
    %dma_wait3A_399 = arith.constant 0 : i32
    %dma_wait3A_400 = tpu.memref_slice %arg7[%dma_wait3A_398, %dma_wait3A_399] : memref<13x128xi32, #tpu.memory_space<vmem>> -> memref<1x128xi32, #tpu.memory_space<vmem>>
    %dma_wait3A_401 = tpu.memref_squeeze %dma_wait3A_400 : memref<1x128xi32, #tpu.memory_space<vmem>> -> memref<128xi32, #tpu.memory_space<vmem>>
    %dma_wait3A_402 = arith.constant 0 : i32
    %dma_wait3A_403 = arith.constant 0 : i32
    %dma_wait3A_404 = tpu.memref_slice %arg2[%dma_wait3A_402, %dma_wait3A_403] : memref<100000x128xf32, #tpu.memory_space<hbm>> -> memref<100000x128xf32, #tpu.memory_space<hbm>>
    tpu.wait_indirect_dma semaphore(%arg17 : memref<!tpu.dma_semaphore, #tpu.memory_space<semaphore_mem>>) src(%dma_wait3A_404 : memref<100000x128xf32, #tpu.memory_space<hbm>>) dst(%arg13 : memref<128x128xf32, #tpu.memory_space<vmem>>)
    %dma_start3A_405 = arith.constant 11 : i32
    %dma_start3A_406 = arith.constant 0 : i32
    %dma_start3A_407 = tpu.memref_slice %arg7[%dma_start3A_405, %dma_start3A_406] : memref<13x128xi32, #tpu.memory_space<vmem>> -> memref<1x128xi32, #tpu.memory_space<vmem>>
    %dma_start3A_408 = tpu.memref_squeeze %dma_start3A_407 : memref<1x128xi32, #tpu.memory_space<vmem>> -> memref<128xi32, #tpu.memory_space<vmem>>
    %dma_start3A_409 = arith.constant 0 : i32
    %dma_start3A_410 = arith.constant 0 : i32
    %dma_start3A_411 = tpu.memref_slice %arg6[%dma_start3A_409, %dma_start3A_410] : memref<100000x128xf32, #tpu.memory_space<hbm>> -> memref<100000x128xf32, #tpu.memory_space<hbm>>
    tpu.enqueue_indirect_dma source(%arg13 : memref<128x128xf32, #tpu.memory_space<vmem>>) target(%dma_start3A_411 : memref<100000x128xf32, #tpu.memory_space<hbm>>) offsets(%dma_start3A_408 : memref<128xi32, #tpu.memory_space<vmem>>) semaphore(%arg21 : memref<!tpu.dma_semaphore, #tpu.memory_space<semaphore_mem>>)
    %dma_wait3A_412 = arith.constant 12 : i32
    %dma_wait3A_413 = arith.constant 0 : i32
    %dma_wait3A_414 = tpu.memref_slice %arg7[%dma_wait3A_412, %dma_wait3A_413] : memref<13x128xi32, #tpu.memory_space<vmem>> -> memref<1x128xi32, #tpu.memory_space<vmem>>
    %dma_wait3A_415 = tpu.memref_squeeze %dma_wait3A_414 : memref<1x128xi32, #tpu.memory_space<vmem>> -> memref<128xi32, #tpu.memory_space<vmem>>
    %dma_wait3A_416 = arith.constant 0 : i32
    %dma_wait3A_417 = arith.constant 0 : i32
    %dma_wait3A_418 = tpu.memref_slice %arg2[%dma_wait3A_416, %dma_wait3A_417] : memref<100000x128xf32, #tpu.memory_space<hbm>> -> memref<100000x128xf32, #tpu.memory_space<hbm>>
    tpu.wait_indirect_dma semaphore(%arg14 : memref<!tpu.dma_semaphore, #tpu.memory_space<semaphore_mem>>) src(%dma_wait3A_418 : memref<100000x128xf32, #tpu.memory_space<hbm>>) dst(%arg10 : memref<128x128xf32, #tpu.memory_space<vmem>>)
    %dma_start3A_419 = arith.constant 12 : i32
    %dma_start3A_420 = arith.constant 0 : i32
    %dma_start3A_421 = tpu.memref_slice %arg7[%dma_start3A_419, %dma_start3A_420] : memref<13x128xi32, #tpu.memory_space<vmem>> -> memref<1x128xi32, #tpu.memory_space<vmem>>
    %dma_start3A_422 = tpu.memref_squeeze %dma_start3A_421 : memref<1x128xi32, #tpu.memory_space<vmem>> -> memref<128xi32, #tpu.memory_space<vmem>>
    %dma_start3A_423 = arith.constant 0 : i32
    %dma_start3A_424 = arith.constant 0 : i32
    %dma_start3A_425 = tpu.memref_slice %arg6[%dma_start3A_423, %dma_start3A_424] : memref<100000x128xf32, #tpu.memory_space<hbm>> -> memref<100000x128xf32, #tpu.memory_space<hbm>>
    tpu.enqueue_indirect_dma source(%arg10 : memref<128x128xf32, #tpu.memory_space<vmem>>) target(%dma_start3A_425 : memref<100000x128xf32, #tpu.memory_space<hbm>>) offsets(%dma_start3A_422 : memref<128xi32, #tpu.memory_space<vmem>>) semaphore(%arg18 : memref<!tpu.dma_semaphore, #tpu.memory_space<semaphore_mem>>)
    %dma_wait3A_426 = arith.constant 9 : i32
    %dma_wait3A_427 = arith.constant 0 : i32
    %dma_wait3A_428 = tpu.memref_slice %arg7[%dma_wait3A_426, %dma_wait3A_427] : memref<13x128xi32, #tpu.memory_space<vmem>> -> memref<1x128xi32, #tpu.memory_space<vmem>>
    %dma_wait3A_429 = tpu.memref_squeeze %dma_wait3A_428 : memref<1x128xi32, #tpu.memory_space<vmem>> -> memref<128xi32, #tpu.memory_space<vmem>>
    %dma_wait3A_430 = arith.constant 0 : i32
    %dma_wait3A_431 = arith.constant 0 : i32
    %dma_wait3A_432 = tpu.memref_slice %arg6[%dma_wait3A_430, %dma_wait3A_431] : memref<100000x128xf32, #tpu.memory_space<hbm>> -> memref<100000x128xf32, #tpu.memory_space<hbm>>
    tpu.wait_indirect_dma semaphore(%arg19 : memref<!tpu.dma_semaphore, #tpu.memory_space<semaphore_mem>>) src(%arg11 : memref<128x128xf32, #tpu.memory_space<vmem>>) dst(%dma_wait3A_432 : memref<100000x128xf32, #tpu.memory_space<hbm>>)
    %dma_wait3A_433 = arith.constant 10 : i32
    %dma_wait3A_434 = arith.constant 0 : i32
    %dma_wait3A_435 = tpu.memref_slice %arg7[%dma_wait3A_433, %dma_wait3A_434] : memref<13x128xi32, #tpu.memory_space<vmem>> -> memref<1x128xi32, #tpu.memory_space<vmem>>
    %dma_wait3A_436 = tpu.memref_squeeze %dma_wait3A_435 : memref<1x128xi32, #tpu.memory_space<vmem>> -> memref<128xi32, #tpu.memory_space<vmem>>
    %dma_wait3A_437 = arith.constant 0 : i32
    %dma_wait3A_438 = arith.constant 0 : i32
    %dma_wait3A_439 = tpu.memref_slice %arg6[%dma_wait3A_437, %dma_wait3A_438] : memref<100000x128xf32, #tpu.memory_space<hbm>> -> memref<100000x128xf32, #tpu.memory_space<hbm>>
    tpu.wait_indirect_dma semaphore(%arg20 : memref<!tpu.dma_semaphore, #tpu.memory_space<semaphore_mem>>) src(%arg12 : memref<128x128xf32, #tpu.memory_space<vmem>>) dst(%dma_wait3A_439 : memref<100000x128xf32, #tpu.memory_space<hbm>>)
    %dma_wait3A_440 = arith.constant 11 : i32
    %dma_wait3A_441 = arith.constant 0 : i32
    %dma_wait3A_442 = tpu.memref_slice %arg7[%dma_wait3A_440, %dma_wait3A_441] : memref<13x128xi32, #tpu.memory_space<vmem>> -> memref<1x128xi32, #tpu.memory_space<vmem>>
    %dma_wait3A_443 = tpu.memref_squeeze %dma_wait3A_442 : memref<1x128xi32, #tpu.memory_space<vmem>> -> memref<128xi32, #tpu.memory_space<vmem>>
    %dma_wait3A_444 = arith.constant 0 : i32
    %dma_wait3A_445 = arith.constant 0 : i32
    %dma_wait3A_446 = tpu.memref_slice %arg6[%dma_wait3A_444, %dma_wait3A_445] : memref<100000x128xf32, #tpu.memory_space<hbm>> -> memref<100000x128xf32, #tpu.memory_space<hbm>>
    tpu.wait_indirect_dma semaphore(%arg21 : memref<!tpu.dma_semaphore, #tpu.memory_space<semaphore_mem>>) src(%arg13 : memref<128x128xf32, #tpu.memory_space<vmem>>) dst(%dma_wait3A_446 : memref<100000x128xf32, #tpu.memory_space<hbm>>)
    %dma_wait3A_447 = arith.constant 12 : i32
    %dma_wait3A_448 = arith.constant 0 : i32
    %dma_wait3A_449 = tpu.memref_slice %arg7[%dma_wait3A_447, %dma_wait3A_448] : memref<13x128xi32, #tpu.memory_space<vmem>> -> memref<1x128xi32, #tpu.memory_space<vmem>>
    %dma_wait3A_450 = tpu.memref_squeeze %dma_wait3A_449 : memref<1x128xi32, #tpu.memory_space<vmem>> -> memref<128xi32, #tpu.memory_space<vmem>>
    %dma_wait3A_451 = arith.constant 0 : i32
    %dma_wait3A_452 = arith.constant 0 : i32
    %dma_wait3A_453 = tpu.memref_slice %arg6[%dma_wait3A_451, %dma_wait3A_452] : memref<100000x128xf32, #tpu.memory_space<hbm>> -> memref<100000x128xf32, #tpu.memory_space<hbm>>
    tpu.wait_indirect_dma semaphore(%arg18 : memref<!tpu.dma_semaphore, #tpu.memory_space<semaphore_mem>>) src(%arg10 : memref<128x128xf32, #tpu.memory_space<vmem>>) dst(%dma_wait3A_453 : memref<100000x128xf32, #tpu.memory_space<hbm>>)
    %dma_wait3A_454 = arith.constant 0 : i32
    %dma_wait3A_455 = arith.constant 0 : i32
    %dma_wait3A_456 = tpu.memref_slice %arg8[%dma_wait3A_454, %dma_wait3A_455] : memref<13x128xi32, #tpu.memory_space<vmem>> -> memref<1x128xi32, #tpu.memory_space<vmem>>
    %dma_wait3A_457 = tpu.memref_squeeze %dma_wait3A_456 : memref<1x128xi32, #tpu.memory_space<vmem>> -> memref<128xi32, #tpu.memory_space<vmem>>
    %dma_wait3A_458 = arith.constant 0 : i32
    %dma_wait3A_459 = arith.constant 0 : i32
    %dma_wait3A_460 = tpu.memref_slice %arg6[%dma_wait3A_458, %dma_wait3A_459] : memref<100000x128xf32, #tpu.memory_space<hbm>> -> memref<100000x128xf32, #tpu.memory_space<hbm>>
    tpu.wait_indirect_dma semaphore(%arg22 : memref<!tpu.dma_semaphore, #tpu.memory_space<semaphore_mem>>) src(%arg9 : memref<128x128xf32, #tpu.memory_space<vmem>>) dst(%dma_wait3A_460 : memref<100000x128xf32, #tpu.memory_space<hbm>>)
    %dma_wait3A_461 = arith.constant 1 : i32
    %dma_wait3A_462 = arith.constant 0 : i32
    %dma_wait3A_463 = tpu.memref_slice %arg8[%dma_wait3A_461, %dma_wait3A_462] : memref<13x128xi32, #tpu.memory_space<vmem>> -> memref<1x128xi32, #tpu.memory_space<vmem>>
    %dma_wait3A_464 = tpu.memref_squeeze %dma_wait3A_463 : memref<1x128xi32, #tpu.memory_space<vmem>> -> memref<128xi32, #tpu.memory_space<vmem>>
    %dma_wait3A_465 = arith.constant 0 : i32
    %dma_wait3A_466 = arith.constant 0 : i32
    %dma_wait3A_467 = tpu.memref_slice %arg6[%dma_wait3A_465, %dma_wait3A_466] : memref<100000x128xf32, #tpu.memory_space<hbm>> -> memref<100000x128xf32, #tpu.memory_space<hbm>>
    tpu.wait_indirect_dma semaphore(%arg22 : memref<!tpu.dma_semaphore, #tpu.memory_space<semaphore_mem>>) src(%arg9 : memref<128x128xf32, #tpu.memory_space<vmem>>) dst(%dma_wait3A_467 : memref<100000x128xf32, #tpu.memory_space<hbm>>)
    %dma_wait3A_468 = arith.constant 2 : i32
    %dma_wait3A_469 = arith.constant 0 : i32
    %dma_wait3A_470 = tpu.memref_slice %arg8[%dma_wait3A_468, %dma_wait3A_469] : memref<13x128xi32, #tpu.memory_space<vmem>> -> memref<1x128xi32, #tpu.memory_space<vmem>>
    %dma_wait3A_471 = tpu.memref_squeeze %dma_wait3A_470 : memref<1x128xi32, #tpu.memory_space<vmem>> -> memref<128xi32, #tpu.memory_space<vmem>>
    %dma_wait3A_472 = arith.constant 0 : i32
    %dma_wait3A_473 = arith.constant 0 : i32
    %dma_wait3A_474 = tpu.memref_slice %arg6[%dma_wait3A_472, %dma_wait3A_473] : memref<100000x128xf32, #tpu.memory_space<hbm>> -> memref<100000x128xf32, #tpu.memory_space<hbm>>
    tpu.wait_indirect_dma semaphore(%arg22 : memref<!tpu.dma_semaphore, #tpu.memory_space<semaphore_mem>>) src(%arg9 : memref<128x128xf32, #tpu.memory_space<vmem>>) dst(%dma_wait3A_474 : memref<100000x128xf32, #tpu.memory_space<hbm>>)
    %dma_wait3A_475 = arith.constant 3 : i32
    %dma_wait3A_476 = arith.constant 0 : i32
    %dma_wait3A_477 = tpu.memref_slice %arg8[%dma_wait3A_475, %dma_wait3A_476] : memref<13x128xi32, #tpu.memory_space<vmem>> -> memref<1x128xi32, #tpu.memory_space<vmem>>
    %dma_wait3A_478 = tpu.memref_squeeze %dma_wait3A_477 : memref<1x128xi32, #tpu.memory_space<vmem>> -> memref<128xi32, #tpu.memory_space<vmem>>
    %dma_wait3A_479 = arith.constant 0 : i32
    %dma_wait3A_480 = arith.constant 0 : i32
    %dma_wait3A_481 = tpu.memref_slice %arg6[%dma_wait3A_479, %dma_wait3A_480] : memref<100000x128xf32, #tpu.memory_space<hbm>> -> memref<100000x128xf32, #tpu.memory_space<hbm>>
    tpu.wait_indirect_dma semaphore(%arg22 : memref<!tpu.dma_semaphore, #tpu.memory_space<semaphore_mem>>) src(%arg9 : memref<128x128xf32, #tpu.memory_space<vmem>>) dst(%dma_wait3A_481 : memref<100000x128xf32, #tpu.memory_space<hbm>>)
    %dma_wait3A_482 = arith.constant 4 : i32
    %dma_wait3A_483 = arith.constant 0 : i32
    %dma_wait3A_484 = tpu.memref_slice %arg8[%dma_wait3A_482, %dma_wait3A_483] : memref<13x128xi32, #tpu.memory_space<vmem>> -> memref<1x128xi32, #tpu.memory_space<vmem>>
    %dma_wait3A_485 = tpu.memref_squeeze %dma_wait3A_484 : memref<1x128xi32, #tpu.memory_space<vmem>> -> memref<128xi32, #tpu.memory_space<vmem>>
    %dma_wait3A_486 = arith.constant 0 : i32
    %dma_wait3A_487 = arith.constant 0 : i32
    %dma_wait3A_488 = tpu.memref_slice %arg6[%dma_wait3A_486, %dma_wait3A_487] : memref<100000x128xf32, #tpu.memory_space<hbm>> -> memref<100000x128xf32, #tpu.memory_space<hbm>>
    tpu.wait_indirect_dma semaphore(%arg22 : memref<!tpu.dma_semaphore, #tpu.memory_space<semaphore_mem>>) src(%arg9 : memref<128x128xf32, #tpu.memory_space<vmem>>) dst(%dma_wait3A_488 : memref<100000x128xf32, #tpu.memory_space<hbm>>)
    %dma_wait3A_489 = arith.constant 5 : i32
    %dma_wait3A_490 = arith.constant 0 : i32
    %dma_wait3A_491 = tpu.memref_slice %arg8[%dma_wait3A_489, %dma_wait3A_490] : memref<13x128xi32, #tpu.memory_space<vmem>> -> memref<1x128xi32, #tpu.memory_space<vmem>>
    %dma_wait3A_492 = tpu.memref_squeeze %dma_wait3A_491 : memref<1x128xi32, #tpu.memory_space<vmem>> -> memref<128xi32, #tpu.memory_space<vmem>>
    %dma_wait3A_493 = arith.constant 0 : i32
    %dma_wait3A_494 = arith.constant 0 : i32
    %dma_wait3A_495 = tpu.memref_slice %arg6[%dma_wait3A_493, %dma_wait3A_494] : memref<100000x128xf32, #tpu.memory_space<hbm>> -> memref<100000x128xf32, #tpu.memory_space<hbm>>
    tpu.wait_indirect_dma semaphore(%arg22 : memref<!tpu.dma_semaphore, #tpu.memory_space<semaphore_mem>>) src(%arg9 : memref<128x128xf32, #tpu.memory_space<vmem>>) dst(%dma_wait3A_495 : memref<100000x128xf32, #tpu.memory_space<hbm>>)
    %dma_wait3A_496 = arith.constant 6 : i32
    %dma_wait3A_497 = arith.constant 0 : i32
    %dma_wait3A_498 = tpu.memref_slice %arg8[%dma_wait3A_496, %dma_wait3A_497] : memref<13x128xi32, #tpu.memory_space<vmem>> -> memref<1x128xi32, #tpu.memory_space<vmem>>
    %dma_wait3A_499 = tpu.memref_squeeze %dma_wait3A_498 : memref<1x128xi32, #tpu.memory_space<vmem>> -> memref<128xi32, #tpu.memory_space<vmem>>
    %dma_wait3A_500 = arith.constant 0 : i32
    %dma_wait3A_501 = arith.constant 0 : i32
    %dma_wait3A_502 = tpu.memref_slice %arg6[%dma_wait3A_500, %dma_wait3A_501] : memref<100000x128xf32, #tpu.memory_space<hbm>> -> memref<100000x128xf32, #tpu.memory_space<hbm>>
    tpu.wait_indirect_dma semaphore(%arg22 : memref<!tpu.dma_semaphore, #tpu.memory_space<semaphore_mem>>) src(%arg9 : memref<128x128xf32, #tpu.memory_space<vmem>>) dst(%dma_wait3A_502 : memref<100000x128xf32, #tpu.memory_space<hbm>>)
    %dma_wait3A_503 = arith.constant 7 : i32
    %dma_wait3A_504 = arith.constant 0 : i32
    %dma_wait3A_505 = tpu.memref_slice %arg8[%dma_wait3A_503, %dma_wait3A_504] : memref<13x128xi32, #tpu.memory_space<vmem>> -> memref<1x128xi32, #tpu.memory_space<vmem>>
    %dma_wait3A_506 = tpu.memref_squeeze %dma_wait3A_505 : memref<1x128xi32, #tpu.memory_space<vmem>> -> memref<128xi32, #tpu.memory_space<vmem>>
    %dma_wait3A_507 = arith.constant 0 : i32
    %dma_wait3A_508 = arith.constant 0 : i32
    %dma_wait3A_509 = tpu.memref_slice %arg6[%dma_wait3A_507, %dma_wait3A_508] : memref<100000x128xf32, #tpu.memory_space<hbm>> -> memref<100000x128xf32, #tpu.memory_space<hbm>>
    tpu.wait_indirect_dma semaphore(%arg22 : memref<!tpu.dma_semaphore, #tpu.memory_space<semaphore_mem>>) src(%arg9 : memref<128x128xf32, #tpu.memory_space<vmem>>) dst(%dma_wait3A_509 : memref<100000x128xf32, #tpu.memory_space<hbm>>)
    %dma_wait3A_510 = arith.constant 8 : i32
    %dma_wait3A_511 = arith.constant 0 : i32
    %dma_wait3A_512 = tpu.memref_slice %arg8[%dma_wait3A_510, %dma_wait3A_511] : memref<13x128xi32, #tpu.memory_space<vmem>> -> memref<1x128xi32, #tpu.memory_space<vmem>>
    %dma_wait3A_513 = tpu.memref_squeeze %dma_wait3A_512 : memref<1x128xi32, #tpu.memory_space<vmem>> -> memref<128xi32, #tpu.memory_space<vmem>>
    %dma_wait3A_514 = arith.constant 0 : i32
    %dma_wait3A_515 = arith.constant 0 : i32
    %dma_wait3A_516 = tpu.memref_slice %arg6[%dma_wait3A_514, %dma_wait3A_515] : memref<100000x128xf32, #tpu.memory_space<hbm>> -> memref<100000x128xf32, #tpu.memory_space<hbm>>
    tpu.wait_indirect_dma semaphore(%arg22 : memref<!tpu.dma_semaphore, #tpu.memory_space<semaphore_mem>>) src(%arg9 : memref<128x128xf32, #tpu.memory_space<vmem>>) dst(%dma_wait3A_516 : memref<100000x128xf32, #tpu.memory_space<hbm>>)
    %dma_wait3A_517 = arith.constant 9 : i32
    %dma_wait3A_518 = arith.constant 0 : i32
    %dma_wait3A_519 = tpu.memref_slice %arg8[%dma_wait3A_517, %dma_wait3A_518] : memref<13x128xi32, #tpu.memory_space<vmem>> -> memref<1x128xi32, #tpu.memory_space<vmem>>
    %dma_wait3A_520 = tpu.memref_squeeze %dma_wait3A_519 : memref<1x128xi32, #tpu.memory_space<vmem>> -> memref<128xi32, #tpu.memory_space<vmem>>
    %dma_wait3A_521 = arith.constant 0 : i32
    %dma_wait3A_522 = arith.constant 0 : i32
    %dma_wait3A_523 = tpu.memref_slice %arg6[%dma_wait3A_521, %dma_wait3A_522] : memref<100000x128xf32, #tpu.memory_space<hbm>> -> memref<100000x128xf32, #tpu.memory_space<hbm>>
    tpu.wait_indirect_dma semaphore(%arg22 : memref<!tpu.dma_semaphore, #tpu.memory_space<semaphore_mem>>) src(%arg9 : memref<128x128xf32, #tpu.memory_space<vmem>>) dst(%dma_wait3A_523 : memref<100000x128xf32, #tpu.memory_space<hbm>>)
    %dma_wait3A_524 = arith.constant 10 : i32
    %dma_wait3A_525 = arith.constant 0 : i32
    %dma_wait3A_526 = tpu.memref_slice %arg8[%dma_wait3A_524, %dma_wait3A_525] : memref<13x128xi32, #tpu.memory_space<vmem>> -> memref<1x128xi32, #tpu.memory_space<vmem>>
    %dma_wait3A_527 = tpu.memref_squeeze %dma_wait3A_526 : memref<1x128xi32, #tpu.memory_space<vmem>> -> memref<128xi32, #tpu.memory_space<vmem>>
    %dma_wait3A_528 = arith.constant 0 : i32
    %dma_wait3A_529 = arith.constant 0 : i32
    %dma_wait3A_530 = tpu.memref_slice %arg6[%dma_wait3A_528, %dma_wait3A_529] : memref<100000x128xf32, #tpu.memory_space<hbm>> -> memref<100000x128xf32, #tpu.memory_space<hbm>>
    tpu.wait_indirect_dma semaphore(%arg22 : memref<!tpu.dma_semaphore, #tpu.memory_space<semaphore_mem>>) src(%arg9 : memref<128x128xf32, #tpu.memory_space<vmem>>) dst(%dma_wait3A_530 : memref<100000x128xf32, #tpu.memory_space<hbm>>)
    %dma_wait3A_531 = arith.constant 11 : i32
    %dma_wait3A_532 = arith.constant 0 : i32
    %dma_wait3A_533 = tpu.memref_slice %arg8[%dma_wait3A_531, %dma_wait3A_532] : memref<13x128xi32, #tpu.memory_space<vmem>> -> memref<1x128xi32, #tpu.memory_space<vmem>>
    %dma_wait3A_534 = tpu.memref_squeeze %dma_wait3A_533 : memref<1x128xi32, #tpu.memory_space<vmem>> -> memref<128xi32, #tpu.memory_space<vmem>>
    %dma_wait3A_535 = arith.constant 0 : i32
    %dma_wait3A_536 = arith.constant 0 : i32
    %dma_wait3A_537 = tpu.memref_slice %arg6[%dma_wait3A_535, %dma_wait3A_536] : memref<100000x128xf32, #tpu.memory_space<hbm>> -> memref<100000x128xf32, #tpu.memory_space<hbm>>
    tpu.wait_indirect_dma semaphore(%arg22 : memref<!tpu.dma_semaphore, #tpu.memory_space<semaphore_mem>>) src(%arg9 : memref<128x128xf32, #tpu.memory_space<vmem>>) dst(%dma_wait3A_537 : memref<100000x128xf32, #tpu.memory_space<hbm>>)
    %dma_wait3A_538 = arith.constant 12 : i32
    %dma_wait3A_539 = arith.constant 0 : i32
    %dma_wait3A_540 = tpu.memref_slice %arg8[%dma_wait3A_538, %dma_wait3A_539] : memref<13x128xi32, #tpu.memory_space<vmem>> -> memref<1x128xi32, #tpu.memory_space<vmem>>
    %dma_wait3A_541 = tpu.memref_squeeze %dma_wait3A_540 : memref<1x128xi32, #tpu.memory_space<vmem>> -> memref<128xi32, #tpu.memory_space<vmem>>
    %dma_wait3A_542 = arith.constant 0 : i32
    %dma_wait3A_543 = arith.constant 0 : i32
    %dma_wait3A_544 = tpu.memref_slice %arg6[%dma_wait3A_542, %dma_wait3A_543] : memref<100000x128xf32, #tpu.memory_space<hbm>> -> memref<100000x128xf32, #tpu.memory_space<hbm>>
    tpu.wait_indirect_dma semaphore(%arg22 : memref<!tpu.dma_semaphore, #tpu.memory_space<semaphore_mem>>) src(%arg9 : memref<128x128xf32, #tpu.memory_space<vmem>>) dst(%dma_wait3A_544 : memref<100000x128xf32, #tpu.memory_space<hbm>>)
    return
  }
}

</mosaic_0001>

<sc_bundles>
// kernel: kernel.3.cloned.1.call-start
scs
__scs_entry_jumppad:
0x0: {  	(pc) =	sbr.rel $0x88, $3  }
0x1: {  	(tag) =	ssettag $0x0;
	lr =	simm.s32 $0x1  }
0x2: {  	[smem:$0x3F9F] =	sst lr;
	_ =	strace $0xD0000000  }
0x3: {  	_ = 	snop  }
0x4: {  	_ = 	snop  }
0x5: {  	_ = 	snop  }
0x6: {  	_ = 	snop  }
0x7: {  	_ = 	snop  }
__scs_overlays_trampoline_lowered:
0x8: {  	[smem:$0x3FAE] =	sst s0  }
0x9: {  	[smem:$0x3FAF] =	sst s1  }
0xa: {  	[smem:$0x3FB0] =	sst s2  }
0xb: {  	[smem:$0x3FB1] =	sst s3  }
0xc: {  	[smem:$0x3FB2] =	sst s4  }
0xd: {  	[smem:$0x3FB3] =	sst s5  }
0xe: {  	[smem:$0x3FB4] =	sst s6  }
0xf: {  	[smem:$0x3FB5] =	sst s7  }
0x10: {  	[smem:$0x3FB6] =	sst s8  }
0x11: {  	[smem:$0x3FB7] =	sst s9;
	s0 =	simm.s32 @!p0 $0x0  }
0x12: {  	s1 =	sld [smem:$0x3F9D];
	s0 =	simm.s32 @p0 $0x1  }
0x13: {  	[smem:$0x3FB8] =	sst s0;
	s0 =	simm.s32 @!p1 $0x0  }
0x14: {  	s2 =	sld [smem:$0x3F9C];
	s0 =	simm.s32 @p1 $0x1  }
0x15: {  	[smem:$0x3FB9] =	sst s0;
	s0 =	simm.s32 @!p2 $0x0  }
0x16: {  	s3 =	sld [smem:$0x3FDB];
	s0 =	simm.s32 @p2 $0x1  }
0x17: {  	s4 =	simm.s32 $0x1BF5;
	[smem:$0x3FBB] =	sst s0  }
0x18: {  	s0 =	sld [smem:$0x3F9E];
	_ =	swait.ge [sflag:s4], $0x0  }
0x19: {  	s7 =	sld [smem:$0x3F9F]  }
0x1a: {  	s8 =	sadd.s32 $0xFFFFE003, lr  }
0x1b: {  	s9 =	sadd.s32 $0xFFFFFEF7, lr;
	s5 =	simm.s32 $0xFFFFFFFF;
	p2 =	slt.u32 s8, $0xFFFFF086  }
0x1c: {  	p1 =	slt.u32 s9, $0xF7A;
	s5 =	simm.s32 @!p2 $0x0  }
0x1d: {  	s5 =	simm.s32 @p1 $0x1;
	p0 =	seq.s32 s7, s2  }
0x1e: {  	s7 =	smul.u32 @!p0 $0xF7A, s2;
	p2 =	seq.s32 @!p0 s5, $0x0  }
0x1f: {  	s9 =	smul.u32 $0xF7A, s1;
	s8 =	simm.s32 @!p0 $0x1BF5;
	p2 =	por !p2, p0  }
0x20: {  	[sflag:s8] =	ssyncset.s32 @!p0 $0xFFFFF086;
	s6 =	sadd.s32 @!p0 s3, s7;
	s7 =	simm.s32 @!p0 $0x108  }
0x21: {  	s3 =	sadd.s32 s3, s9;
	s6 =	sadd.s32 @!p0 $0x88, s6;
	s7 =	simm.s32 @p2 $0x1082  }
0x22: {  	[simem:s7], [sflag:s8] =	dma.local @!p0 [hbm:s6], $0xF7A  }
0x23: {  	s9 =	sor.u32 $0xD0000000, s2;
	s6 =	simm.s32 $0x108;
	_ =	swait.ge @!p0 [sflag:s8], $0x0  }
0x24: {  	s3 =	sadd.s32 $0x88, s3;
	s6 =	simm.s32 @!p1 $0x1082;
	[sflag:s4] =	ssyncset.s32 $0xFFFFF086  }
0x25: {  	[simem:s6], [sflag:s4] =	dma.local [hbm:s3], $0xF7A  }
0x26: {  	[smem:$0x3F9F] =	sst s1;
	(tag) =	ssettag s2;
	_ =	strace s9  }
0x27: {  	s1 =	sld [smem:$0x3FAF]  }
0x28: {  	s2 =	sld [smem:$0x3FB0]  }
0x29: {  	s4 =	sld [smem:$0x3FB2]  }
0x2a: {  	p0 =	seq.s32 s5, $0x0;
	s5 =	sld [smem:$0x3FB3]  }
0x2b: {  	s6 =	sld [smem:$0x3FB4]  }
0x2c: {  	s7 =	sld [smem:$0x3FB5]  }
0x2d: {  	s3 =	simm.s32 $0x108;
	s8 =	sld [smem:$0x3FB6]  }
0x2e: {  	s3 =	simm.s32 @!p0 $0x1082;
	s9 =	sld [smem:$0x3FB7]  }
0x2f: {  	lr =	sadd.s32 s0, s3;
	s0 =	sld [smem:$0x3FAE]  }
0x30: {  	s3 =	sld [smem:$0x3FB1]  }
0x31: {  	[smem:$0x3FBA] =	sst s10  }
0x32: {  	s10 =	sld [smem:$0x3FB8];
	_ =	sdelay $0x3  }
0x33: {  	p0 =	seq.s32 s10, $0x1;
	s10 =	sld [smem:$0x3FBA];
	_ =	sdelay $0x3  }
0x34: {  	[smem:$0x3FBA] =	sst s10  }
0x35: {  	s10 =	sld [smem:$0x3FB9];
	_ =	sdelay $0x3  }
0x36: {  	p1 =	seq.s32 s10, $0x1;
	s10 =	sld [smem:$0x3FBA];
	_ =	sdelay $0x3  }
0x37: {  	[smem:$0x3FBA] =	sst s10  }
0x38: {  	s10 =	sld [smem:$0x3FBB]  }
0x39: {  	_ = 	snop;
	(pc) =	sbr.ind lr, $3  }
0x3a: {  	_ = 	snop  }
0x3b: {  	_ = 	snop  }
0x3c: {  	p2 =	seq.s32 s10, $0x1;
	s10 =	sld [smem:$0x3FBA]  }
0x3d: {  	_ =	shalt  }
0x3e: {  	_ =	shalt  }
0x3f: {  	_ =	shalt  }
0x40: {  	_ =	shalt  }
0x41: {  	_ =	shalt  }
0x42: {  	_ =	shalt  }
0x43: {  	_ =	shalt  }
0x44: {  	_ =	shalt  }
0x45: {  	_ =	shalt  }
0x46: {  	_ =	shalt  }
0x47: {  	_ =	shalt  }
0x48: {  	_ =	shalt  }
0x49: {  	_ =	shalt  }
0x4a: {  	_ =	shalt  }
0x4b: {  	_ =	shalt  }
0x4c: {  	_ =	shalt  }
0x4d: {  	_ =	shalt  }
0x4e: {  	_ =	shalt  }
0x4f: {  	_ =	shalt  }
0x50: {  	_ =	shalt  }
0x51: {  	_ =	shalt  }
0x52: {  	_ =	shalt  }
0x53: {  	_ =	shalt  }
0x54: {  	_ =	shalt  }
0x55: {  	_ =	shalt  }
0x56: {  	_ =	shalt  }
0x57: {  	_ =	shalt  }
0x58: {  	_ =	shalt  }
0x59: {  	_ =	shalt  }
0x5a: {  	_ =	shalt  }
0x5b: {  	_ =	shalt  }
0x5c: {  	_ =	shalt  }
0x5d: {  	_ =	shalt  }
0x5e: {  	_ =	shalt  }
0x5f: {  	_ =	shalt  }
0x60: {  	_ =	shalt  }
0x61: {  	_ =	shalt  }
0x62: {  	_ =	shalt  }
0x63: {  	_ =	shalt  }
0x64: {  	_ =	shalt  }
0x65: {  	_ =	shalt  }
0x66: {  	_ =	shalt  }
0x67: {  	_ =	shalt  }
0x68: {  	_ =	shalt  }
0x69: {  	_ =	shalt  }
0x6a: {  	_ =	shalt  }
0x6b: {  	_ =	shalt  }
0x6c: {  	_ =	shalt  }
0x6d: {  	_ =	shalt  }
0x6e: {  	_ =	shalt  }
0x6f: {  	_ =	shalt  }
0x70: {  	_ =	shalt  }
0x71: {  	_ =	shalt  }
0x72: {  	_ =	shalt  }
0x73: {  	_ =	shalt  }
0x74: {  	_ =	shalt  }
0x75: {  	_ =	shalt  }
0x76: {  	_ =	shalt  }
0x77: {  	_ =	shalt  }
0x78: {  	_ =	shalt  }
0x79: {  	_ =	shalt  }
0x7a: {  	_ =	shalt  }
0x7b: {  	_ =	shalt  }
0x7c: {  	_ =	shalt  }
0x7d: {  	_ =	shalt  }
0x7e: {  	_ =	shalt  }
0x7f: {  	_ =	shalt  }
0x80: {  	_ =	shalt  }
0x81: {  	_ =	shalt  }
0x82: {  	_ =	shalt  }
0x83: {  	_ =	shalt  }
0x84: {  	_ =	shalt  }
0x85: {  	_ =	shalt  }
0x86: {  	_ =	shalt  }
0x87: {  	_ =	shalt  }
.Lfunc_end0:
.L_simem_size_0:
called_computation_lowered:
.L_overlay_start_0:
0x88: {  	s2 =	sld [smem:$0x3FD9]  }
0x89: {  	s3 =	sld [smem:$0x3FFE];
	_ =	sdelay $0x1  }
0x8a: {  	s1 =	srdreg.scid  }
0x8b: {  	s0 =	sand.u32 $0x1, s1  }
0x8c: {  	s14 =	sshll.u32 s0, $0xA;
	s2 =	sadd.s32 s3, s2  }
0x8d: {  	s2 =	sadd.s32 s2, s14  }
0x8e: {  	[smem:$0x3FC6] =	sst s2  }
0x8f: {  	_ = 	snop  }
0x90: {  	s2 =	sld [smem:$0x3FD0];
	_ =	sdelay $0x2  }
0x91: {  	s4 =	simm.s32 $0xA;
	s5 =	simm.s32 $0x10;
	s15 =	sld [smem:$0x3FC9]  }
0x92: {  	[smem:s5], [sflag:s4] =	dma.local [hbm:s2], $0x1  }
0x93: {  	_ =	swait.eq [sflag:s4], $0x1  }
0x94: {  	[sflag:s4] =	ssyncset.done $0x0  }
0x95: {  	s16 =	sld [smem:$0x10];
	[sflag:s4] =	ssyncadd.s32 $0xFFFFFFFF  }
0x96: {  	s17 =	sld [smem:$0x12];
	(tm) =	ssettm $0x1  }
0x97: {  	s18 =	sld [smem:$0x3FFB];
	_ =	sdelay $0x3  }
0x98: {  	_ =	strace s18  }
0x99: {  	s5 =	sld [smem:$0x3FFC];
	_ =	sdelay $0x3  }
0x9a: {  	_ =	strace s5  }
0x9b: {  	s5 =	sld [smem:$0x3FFD];
	_ =	sdelay $0x3  }
0x9c: {  	_ =	strace s5  }
0x9d: {  	_ =	strace $0x8FFFFFFF  }
0x9e: {  	s19 =	sld [smem:$0x3FDB];
	_ =	sdelay $0x1  }
0x9f: {  	s6 =	simm.s32 $_scs_section_size  }
0xa0: {  	s7 =	simm.s32 $_size__tile_overlayer_lowered;
	s8 =	simm.s32 $_tile_overlayer_lowered  }
0xa1: {  	s22 =	simm.s32 $0x1BFF;
	s21 =	sshll.u32 s8, $0x1;
	s5 =	sadd.s32 s6, s19  }
0xa2: {  	s9 =	simm.s32 $0x0;
	s20 =	sshll.u32 s7, $0x1;
	s7 =	sadd.s32 s21, s5  }
0xa3: {  	[timem:s9], [sflag:s22] =	dma.local [hbm:s7], s20  }
0xa4: {  	_ =	swait.ge [sflag:s22], s20  }
0xa5: {  	s6 =	ssub.s32 $0x0, s20;
	[sflag:s22] =	ssyncset.done $0x0  }
0xa6: {  	[sflag:s22] =	ssyncadd.s32 s6;
	_ =	sdelay $0x1  }
0xa7: {  	s23 =	simm.s32 $0x1B8B  }
0xa8: {  	_ =	swait.ge [sflag:s23], $0x1  }
0xa9: {  	[sflag:s23] =	ssyncset.done $0x0  }
0xaa: {  	s25 =	simm.s32 $0x1B8E;
	s24 =	sld [smem:$0x3FFE];
	[sflag:s23] =	ssyncadd.s32 $0xFFFFFFFF  }
0xab: {  	s26 =	simm.s32 $execute0_lowered;
	[smem:$0x3FD2] =	sst s25  }
0xac: {  	s7 =	sshll.u32 s26, $0x1;
	_ =	strace $0x80000046;
	[dreg:$0x1] =	wrdreg $0xFFFFFFFF  }
0xad: {  	s28 =	simm.s32 $_size_execute0_lowered;
	s5 =	sadd.s32 s5, s7;
	[dreg:$0x0] =	wrdreg $0x0  }
0xae: {  	s7 =	sshll.u32 s28, $0x1;
	[dreg:$0x2] =	wrdreg s5  }
0xaf: {  	[dreg:$0x3] =	wrdreg s7  }
0xb0: {  	[dreg:$0x4] =	wrdreg $0xC0  }
0xb1: {  	_ =	task [dreg:s9], $0x5FFFF  }
0xb2: {  	[dreg:$0x1] =	wrdreg $0xFFFFFFFF  }
0xb3: {  	[dreg:$0x0] =	wrdreg $0x60  }
0xb4: {  	[dreg:$0x2] =	wrdreg s15  }
0xb5: {  	[dreg:$0x3] =	wrdreg s17  }
0xb6: {  	[dreg:$0x4] =	wrdreg s24  }
0xb7: {  	[dreg:$0x5] =	wrdreg s16  }
0xb8: {  	[dreg:$0x6] =	wrdreg $0x9  }
0xb9: {  	_ =	task.clear_ibuf [dreg:s9], $0x7FFFF;
	_ =	strace $0x90000046  }
0xba: {  	s29 =	simm.s32 $0x9;
	_ =	strace $0x80000048  }
0xbb: {  	_ =	swait.ge [sflag:s29], $0x1  }
0xbc: {  	[sflag:s29] =	ssyncadd.s32 $0xFFFFFFFF  }
0xbd: {  	_ =	strace $0x90000048  }
0xbe: {  	_ =	sfence  }
0xbf: {  	s30 =	sld [smem:$0x0];
	_ =	sdelay $0x2  }
0xc0: {  	s31 =	sshll.u32 s1, $0xD;
	s1 =	sshrl.u32 s1, $0x2  }
0xc1: {  	s3 =	sand.u32 $0x4000, s31;
	s1 =	sadd.s32 s1, s30  }
0xc2: {  	s0 =	sor.u32 s3, s0;
	s1 =	sshll.u32 s1, $0x11  }
0xc3: {  	s0 =	sor.u32 s1, s0  }
0xc4: {  	s0 =	sadd.s32 $0x8F2B, s0  }
0xc5: {  	[sflag:s0] =	ssyncadd.remote.s32 $0x1  }
0xc6: {  	_ =	sfence.sel $0xFFFF  }
0xc7: {  	[dreg:$0x0] =	wrdreg $0xFFFFFFFF;
	(pc) =	sbr.abs _section_cstart, $3  }
0xc8: {  	[dreg:$0x1] =	wrdreg $0xFFFFFFFF  }
0xc9: {  	_ =	task.clear_ibuf [dreg:s9], $0x2FFFF;
	_ =	strace $0x9FFFFFFF  }
0xca: {  	(tm) =	ssettm $0x7FFFFFFF  }
0xcb: {  	_ =	shalt  }
tec
execute0_lowered:
.L_overlay_start_1:
0x0: {  	(tag) =	ssettag $0x1  }
0x1: {  	s3 =	rddreg [dreg:$0x0]  }
0x2: {  	s0 =	rddreg [dreg:$0x1];
	s11 =	srdreg.scid  }
0x3: {  	s1 =	rddreg [dreg:$0x2];
	s20 =	stileid.u32  }
0x4: {  	s2 =	rddreg [dreg:$0x3];
	s22 =	simm.s32 $0x0;
	s12 =	simm.s32 $0x880  }
0x5: {  	s13 =	simm.s32 $0x900;
	s14 =	simm.s32 $0x980;
	[dreg:$0x5] =	wrdreg s0  }
0x6: {  	s15 =	simm.s32 $0xA00;
	s16 =	simm.s32 $0xA80;
	[smem:$0x7FF] =	sst s22  }
0x7: {  	s17 =	simm.s32 $0xB00;
	_ =	strace $0x80000047;
	[dreg:$0x8] =	wrdreg s12  }
0x8: {  	s19 =	simm.s32 $0xB80;
	s21 =	simm.s32 $0xC00;
	[dreg:$0x9] =	wrdreg s13  }
0x9: {  	s23 =	simm.s32 $0xC80;
	s24 =	simm.s32 $0xD00;
	[dreg:$0xa] =	wrdreg s14  }
0xa: {  	s25 =	simm.s32 $0xD80;
	s31 =	simm.s32 $0x1000;
	[dreg:$0xb] =	wrdreg s15  }
0xb: {  	s26 =	simm.s32 $0xE00;
	s6 =	simm.s32 $0x80;
	[dreg:$0xc] =	wrdreg s16  }
0xc: {  	s7 =	simm.s32 $0x5000;
	s8 =	simm.s32 $0x1;
	[dreg:$0xd] =	wrdreg s17  }
0xd: {  	s10 =	simm.s32 $0x6;
	s30 =	simm.s32 $0x280;
	[dreg:$0xe] =	wrdreg s19  }
0xe: {  	s9 =	simm.s32 $0x7;
	s29 =	simm.s32 $0x300;
	[dreg:$0xf] =	wrdreg s21  }
0xf: {  	p0 =	por $0x0, $0x0;
	s28 =	simm.s32 $0x380;
	[dreg:$0x10] =	wrdreg s23  }
0x10: {  	s0 =	sand.u32 $0x1, s11;
	s4 =	sshll.u32 s20, $0x9;
	[dreg:$0x11] =	wrdreg s24  }
0x11: {  	s11 =	simm.s32 $0x8;
	s5 =	sshll.u32 s0, $0x8;
	[dreg:$0x12] =	wrdreg s25  }
0x12: {  	s0 =	ssub.s32 $0x2, s0;
	[dreg:$0x13] =	wrdreg s26;
	s4 =	sor.u32 s5, s4  }
0x13: {  	s15 =	simm.s32 $0x9000;
	s18 =	sshrl.u32 s0, $0x1;
	s1 =	sadd.s32 s4, s1  }
0x14: {  	s13 =	simm.s32 $0xD000;
	s0 =	ssub.s32 s0, s18;
	s4 =	sadd.s32 $0x800, s1  }
0x15: {  	s12 =	simm.s32 $0x11000;
	[dreg:$0x6] =	wrdreg s4;
	s4 =	smax.u32 s0, $0x1  }
0x16: {  	s16 =	simm.s32 $0x3;
	s14 =	simm.s32 $0x4;
	p1 =	sne.s32 s4, $0x1  }
.Ltmp0:
0x17: {  	s26 =	simm.s32 $0x400;
	s25 =	simm.s32 $0x480;
	(pc) =	sbr.rel @!p1 .LBB2_5-.Ltmp0, $4  }
0x18: {  	s24 =	simm.s32 $0x500;
	s23 =	simm.s32 $0x580;
	s21 =	simm.s32 $0x600  }
0x19: {  	s5 =	simm.s32 $0x5;
	s18 =	simm.s32 $0x2;
	s1 =	sadd.s32 $0x2800, s1  }
0x1a: {  	[dreg:$0x7] =	wrdreg s1;
	s1 =	simm.s32 $0xA;
	s0 =	simm.s32 $0x800  }
0x1b: {  	s17 =	sadd.s32 $0xFFFFFFFF, s4;
	s4 =	simm.s32 $0x9;
	s19 =	rddreg [dreg:$0x6]  }
0x1c: {  	[tilespmem:s22], [sflag:$0xA] =	stream.linear.gather [hbm4b:s19+s22], $0x680, $0x38;
	[tilespmem:$0x15000] =	vst v63  }
0x1d: {  	_ =	swait.ge [sflag:s1], $0x680  }
0x1e: {  	[sflag:s1] =	ssyncset.done $0x0  }
0x1f: {  	s20 =	rddreg [dreg:$0x7];
	[sflag:s1] =	ssyncadd.s32 $0xFFFFF980  }
0x20: {  	[tilespmem:s0], [sflag:$0xA] =	stream.linear.gather [hbm4b:s20+s22], $0x680, $0x38;
	[tilespmem:$0x15000] =	vst v63  }
0x21: {  	_ =	swait.ge [sflag:s1], $0x680  }
0x22: {  	[sflag:s1] =	ssyncset.done $0x0  }
0x23: {  	s20 =	rddreg [dreg:$0x5];
	[sflag:s1] =	ssyncadd.s32 $0xFFFFF980  }
0x24: {  	[tilespmem:s31], [sflag:$0xA] =	stream.linear.gather [hbm4b:s20+s22], $0x4000, $0x38;
	[tilespmem:$0x15000] =	vst v63  }
0x25: {  	_ =	swait.ge [sflag:s1], $0x4000  }
0x26: {  	[sflag:s1] =	ssyncset.done $0x0  }
0x27: {  	[sflag:s1] =	ssyncadd.s32 $0xFFFFC000  }
0x28: {  	[hbm4b:s2+s6] =	stream.indirect.scatter [tilespmem:s31], [sflag:$0x9], $0x80, s0, s6, $0xb8;
	[tilespmem:$0x15000] =	vst v63  }
0x29: {  	s19 =	rddreg [dreg:$0x8]  }
0x2a: {  	[hbm4b:s2+s6] =	stream.indirect.scatter [tilespmem:s31], [sflag:$0x9], $0x80, s19, s6, $0xb8;
	[tilespmem:$0x15000] =	vst v63  }
0x2b: {  	s20 =	smov.u32 s17;
	s17 =	rddreg [dreg:$0x9]  }
0x2c: {  	[hbm4b:s2+s6] =	stream.indirect.scatter [tilespmem:s31], [sflag:$0x9], $0x80, s17, s6, $0xb8;
	[tilespmem:$0x15000] =	vst v63  }
0x2d: {  	s19 =	rddreg [dreg:$0xa]  }
0x2e: {  	[hbm4b:s2+s6] =	stream.indirect.scatter [tilespmem:s31], [sflag:$0x9], $0x80, s19, s6, $0xb8;
	[tilespmem:$0x15000] =	vst v63  }
0x2f: {  	s17 =	rddreg [dreg:$0xb]  }
0x30: {  	[hbm4b:s2+s6] =	stream.indirect.scatter [tilespmem:s31], [sflag:$0x9], $0x80, s17, s6, $0xb8;
	[tilespmem:$0x15000] =	vst v63  }
0x31: {  	s19 =	rddreg [dreg:$0xc]  }
0x32: {  	[hbm4b:s2+s6] =	stream.indirect.scatter [tilespmem:s31], [sflag:$0x9], $0x80, s19, s6, $0xb8;
	[tilespmem:$0x15000] =	vst v63  }
0x33: {  	s17 =	rddreg [dreg:$0xd]  }
0x34: {  	[hbm4b:s2+s6] =	stream.indirect.scatter [tilespmem:s31], [sflag:$0x9], $0x80, s17, s6, $0xb8;
	[tilespmem:$0x15000] =	vst v63  }
0x35: {  	s19 =	rddreg [dreg:$0xe]  }
0x36: {  	[hbm4b:s2+s6] =	stream.indirect.scatter [tilespmem:s31], [sflag:$0x9], $0x80, s19, s6, $0xb8;
	[tilespmem:$0x15000] =	vst v63  }
0x37: {  	s17 =	rddreg [dreg:$0xf]  }
0x38: {  	[hbm4b:s2+s6] =	stream.indirect.scatter [tilespmem:s31], [sflag:$0x9], $0x80, s17, s6, $0xb8;
	[tilespmem:$0x15000] =	vst v63  }
0x39: {  	s19 =	rddreg [dreg:$0x10]  }
0x3a: {  	[hbm4b:s2+s6] =	stream.indirect.scatter [tilespmem:s31], [sflag:$0x9], $0x80, s19, s6, $0xb8;
	[tilespmem:$0x15000] =	vst v63  }
0x3b: {  	s17 =	rddreg [dreg:$0x11]  }
0x3c: {  	[hbm4b:s2+s6] =	stream.indirect.scatter [tilespmem:s31], [sflag:$0x9], $0x80, s17, s6, $0xb8;
	[tilespmem:$0x15000] =	vst v63  }
0x3d: {  	s19 =	rddreg [dreg:$0x12]  }
0x3e: {  	[hbm4b:s2+s6] =	stream.indirect.scatter [tilespmem:s31], [sflag:$0x9], $0x80, s19, s6, $0xb8;
	[tilespmem:$0x15000] =	vst v63  }
0x3f: {  	s17 =	rddreg [dreg:$0x13]  }
0x40: {  	[hbm4b:s2+s6] =	stream.indirect.scatter [tilespmem:s31], [sflag:$0x9], $0x80, s17, s6, $0xb8;
	[tilespmem:$0x15000] =	vst v63  }
0x41: {  	_ = 	snop  }
0x42: {  	[tilespmem:s7], [sflag:$0x1] =	stream.indirect.gather [hbm4b:s3+s6], $0x80, s22, s6, $0xb8;
	[tilespmem:$0x15000] =	vst v63  }
0x43: {  	_ = 	snop  }
0x44: {  	[tilespmem:s15], [sflag:$0x2] =	stream.indirect.gather [hbm4b:s3+s6], $0x80, s6, s6, $0xb8;
	[tilespmem:$0x15000] =	vst v63  }
0x45: {  	_ =	swait.ge [sflag:s8], $0x4000  }
0x46: {  	[sflag:s8] =	ssyncset.done $0x0  }
0x47: {  	[sflag:s8] =	ssyncadd.s32 $0xFFFFC000  }
0x48: {  	[hbm4b:s2+s6] =	stream.indirect.scatter [tilespmem:s7], [sflag:$0x5], $0x80, s22, s6, $0xb8;
	[tilespmem:$0x15000] =	vst v63  }
0x49: {  	s17 =	simm.s32 $0x100  }
0x4a: {  	[tilespmem:s13], [sflag:$0x3] =	stream.indirect.gather [hbm4b:s3+s6], $0x80, s17, s6, $0xb8;
	[tilespmem:$0x15000] =	vst v63  }
0x4b: {  	_ =	swait.ge [sflag:s18], $0x4000  }
0x4c: {  	[sflag:s18] =	ssyncset.done $0x0  }
0x4d: {  	[sflag:s18] =	ssyncadd.s32 $0xFFFFC000  }
0x4e: {  	[hbm4b:s2+s6] =	stream.indirect.scatter [tilespmem:s15], [sflag:$0x6], $0x80, s6, s6, $0xb8;
	[tilespmem:$0x15000] =	vst v63  }
0x4f: {  	s19 =	simm.s32 $0x180  }
0x50: {  	[tilespmem:s12], [sflag:$0x4] =	stream.indirect.gather [hbm4b:s3+s6], $0x80, s19, s6, $0xb8;
	[tilespmem:$0x15000] =	vst v63  }
0x51: {  	_ =	swait.ge [sflag:s16], $0x4000  }
0x52: {  	[sflag:s16] =	ssyncset.done $0x0  }
0x53: {  	[sflag:s16] =	ssyncadd.s32 $0xFFFFC000  }
0x54: {  	[hbm4b:s2+s6] =	stream.indirect.scatter [tilespmem:s13], [sflag:$0x7], $0x80, s17, s6, $0xb8;
	[tilespmem:$0x15000] =	vst v63  }
0x55: {  	_ =	swait.ge [sflag:s5], $0x4000  }
0x56: {  	[sflag:s5] =	ssyncset.done $0x0  }
0x57: {  	s17 =	simm.s32 $0x200;
	[sflag:s5] =	ssyncadd.s32 $0xFFFFC000  }
0x58: {  	[tilespmem:s7], [sflag:$0x1] =	stream.indirect.gather [hbm4b:s3+s6], $0x80, s17, s6, $0xb8;
	[tilespmem:$0x15000] =	vst v63  }
0x59: {  	_ =	swait.ge [sflag:s14], $0x4000  }
0x5a: {  	[sflag:s14] =	ssyncset.done $0x0  }
0x5b: {  	[sflag:s14] =	ssyncadd.s32 $0xFFFFC000  }
0x5c: {  	[hbm4b:s2+s6] =	stream.indirect.scatter [tilespmem:s12], [sflag:$0x8], $0x80, s19, s6, $0xb8;
	[tilespmem:$0x15000] =	vst v63  }
0x5d: {  	_ =	swait.ge [sflag:s10], $0x4000  }
0x5e: {  	[sflag:s10] =	ssyncset.done $0x0  }
0x5f: {  	[sflag:s10] =	ssyncadd.s32 $0xFFFFC000  }
0x60: {  	[tilespmem:s15], [sflag:$0x2] =	stream.indirect.gather [hbm4b:s3+s6], $0x80, s30, s6, $0xb8;
	[tilespmem:$0x15000] =	vst v63  }
0x61: {  	_ =	swait.ge [sflag:s8], $0x4000  }
0x62: {  	[sflag:s8] =	ssyncset.done $0x0  }
0x63: {  	[sflag:s8] =	ssyncadd.s32 $0xFFFFC000  }
0x64: {  	[hbm4b:s2+s6] =	stream.indirect.scatter [tilespmem:s7], [sflag:$0x5], $0x80, s17, s6, $0xb8;
	[tilespmem:$0x15000] =	vst v63  }
0x65: {  	_ =	swait.ge [sflag:s9], $0x4000  }
0x66: {  	[sflag:s9] =	ssyncset.done $0x0  }
0x67: {  	[sflag:s9] =	ssyncadd.s32 $0xFFFFC000  }
0x68: {  	[tilespmem:s13], [sflag:$0x3] =	stream.indirect.gather [hbm4b:s3+s6], $0x80, s29, s6, $0xb8;
	[tilespmem:$0x15000] =	vst v63  }
0x69: {  	_ =	swait.ge [sflag:s18], $0x4000  }
0x6a: {  	[sflag:s18] =	ssyncset.done $0x0  }
0x6b: {  	[sflag:s18] =	ssyncadd.s32 $0xFFFFC000  }
0x6c: {  	[hbm4b:s2+s6] =	stream.indirect.scatter [tilespmem:s15], [sflag:$0x6], $0x80, s30, s6, $0xb8;
	[tilespmem:$0x15000] =	vst v63  }
0x6d: {  	_ =	swait.ge [sflag:s11], $0x4000  }
0x6e: {  	[sflag:s11] =	ssyncset.done $0x0  }
0x6f: {  	[sflag:s11] =	ssyncadd.s32 $0xFFFFC000  }
0x70: {  	[tilespmem:s12], [sflag:$0x4] =	stream.indirect.gather [hbm4b:s3+s6], $0x80, s28, s6, $0xb8;
	[tilespmem:$0x15000] =	vst v63  }
0x71: {  	_ =	swait.ge [sflag:s16], $0x4000  }
0x72: {  	[sflag:s16] =	ssyncset.done $0x0  }
0x73: {  	[sflag:s16] =	ssyncadd.s32 $0xFFFFC000  }
0x74: {  	[hbm4b:s2+s6] =	stream.indirect.scatter [tilespmem:s13], [sflag:$0x7], $0x80, s29, s6, $0xb8;
	[tilespmem:$0x15000] =	vst v63  }
0x75: {  	_ =	swait.ge [sflag:s5], $0x4000  }
0x76: {  	[sflag:s5] =	ssyncset.done $0x0  }
0x77: {  	[sflag:s5] =	ssyncadd.s32 $0xFFFFC000  }
0x78: {  	[tilespmem:s7], [sflag:$0x1] =	stream.indirect.gather [hbm4b:s3+s6], $0x80, s26, s6, $0xb8;
	[tilespmem:$0x15000] =	vst v63  }
0x79: {  	_ =	swait.ge [sflag:s14], $0x4000  }
0x7a: {  	[sflag:s14] =	ssyncset.done $0x0  }
0x7b: {  	[sflag:s14] =	ssyncadd.s32 $0xFFFFC000  }
0x7c: {  	[hbm4b:s2+s6] =	stream.indirect.scatter [tilespmem:s12], [sflag:$0x8], $0x80, s28, s6, $0xb8;
	[tilespmem:$0x15000] =	vst v63  }
0x7d: {  	_ =	swait.ge [sflag:s10], $0x4000  }
0x7e: {  	[sflag:s10] =	ssyncset.done $0x0  }
0x7f: {  	[sflag:s10] =	ssyncadd.s32 $0xFFFFC000  }
0x80: {  	[tilespmem:s15], [sflag:$0x2] =	stream.indirect.gather [hbm4b:s3+s6], $0x80, s25, s6, $0xb8;
	[tilespmem:$0x15000] =	vst v63  }
0x81: {  	_ =	swait.ge [sflag:s8], $0x4000  }
0x82: {  	[sflag:s8] =	ssyncset.done $0x0  }
0x83: {  	[sflag:s8] =	ssyncadd.s32 $0xFFFFC000  }
0x84: {  	[hbm4b:s2+s6] =	stream.indirect.scatter [tilespmem:s7], [sflag:$0x5], $0x80, s26, s6, $0xb8;
	[tilespmem:$0x15000] =	vst v63  }
0x85: {  	_ =	swait.ge [sflag:s9], $0x4000  }
0x86: {  	[sflag:s9] =	ssyncset.done $0x0  }
0x87: {  	[sflag:s9] =	ssyncadd.s32 $0xFFFFC000  }
0x88: {  	[tilespmem:s13], [sflag:$0x3] =	stream.indirect.gather [hbm4b:s3+s6], $0x80, s24, s6, $0xb8;
	[tilespmem:$0x15000] =	vst v63  }
0x89: {  	_ =	swait.ge [sflag:s18], $0x4000  }
0x8a: {  	[sflag:s18] =	ssyncset.done $0x0  }
0x8b: {  	[sflag:s18] =	ssyncadd.s32 $0xFFFFC000  }
0x8c: {  	[hbm4b:s2+s6] =	stream.indirect.scatter [tilespmem:s15], [sflag:$0x6], $0x80, s25, s6, $0xb8;
	[tilespmem:$0x15000] =	vst v63  }
0x8d: {  	_ =	swait.ge [sflag:s11], $0x4000  }
0x8e: {  	[sflag:s11] =	ssyncset.done $0x0  }
0x8f: {  	[sflag:s11] =	ssyncadd.s32 $0xFFFFC000  }
0x90: {  	[tilespmem:s12], [sflag:$0x4] =	stream.indirect.gather [hbm4b:s3+s6], $0x80, s23, s6, $0xb8;
	[tilespmem:$0x15000] =	vst v63  }
0x91: {  	_ =	swait.ge [sflag:s16], $0x4000  }
0x92: {  	[sflag:s16] =	ssyncset.done $0x0  }
0x93: {  	[sflag:s16] =	ssyncadd.s32 $0xFFFFC000  }
0x94: {  	[hbm4b:s2+s6] =	stream.indirect.scatter [tilespmem:s13], [sflag:$0x7], $0x80, s24, s6, $0xb8;
	[tilespmem:$0x15000] =	vst v63  }
0x95: {  	_ =	swait.ge [sflag:s5], $0x4000  }
0x96: {  	[sflag:s5] =	ssyncset.done $0x0  }
0x97: {  	[sflag:s5] =	ssyncadd.s32 $0xFFFFC000  }
0x98: {  	[tilespmem:s7], [sflag:$0x1] =	stream.indirect.gather [hbm4b:s3+s6], $0x80, s21, s6, $0xb8;
	[tilespmem:$0x15000] =	vst v63  }
0x99: {  	_ =	swait.ge [sflag:s14], $0x4000  }
0x9a: {  	[sflag:s14] =	ssyncset.done $0x0  }
0x9b: {  	[sflag:s14] =	ssyncadd.s32 $0xFFFFC000  }
0x9c: {  	[hbm4b:s2+s6] =	stream.indirect.scatter [tilespmem:s12], [sflag:$0x8], $0x80, s23, s6, $0xb8;
	[tilespmem:$0x15000] =	vst v63  }
0x9d: {  	_ =	swait.ge [sflag:s8], $0x4000  }
0x9e: {  	[sflag:s8] =	ssyncset.done $0x0  }
0x9f: {  	[sflag:s8] =	ssyncadd.s32 $0xFFFFC000  }
0xa0: {  	[hbm4b:s2+s6] =	stream.indirect.scatter [tilespmem:s7], [sflag:$0x5], $0x80, s21, s6, $0xb8;
	[tilespmem:$0x15000] =	vst v63  }
0xa1: {  	_ =	swait.ge [sflag:s10], $0x4000  }
0xa2: {  	[sflag:s10] =	ssyncset.done $0x0  }
0xa3: {  	[sflag:s10] =	ssyncadd.s32 $0xFFFFC000  }
0xa4: {  	_ =	swait.ge [sflag:s9], $0x4000  }
0xa5: {  	[sflag:s9] =	ssyncset.done $0x0  }
0xa6: {  	[sflag:s9] =	ssyncadd.s32 $0xFFFFC000  }
0xa7: {  	_ =	swait.ge [sflag:s11], $0x4000  }
0xa8: {  	[sflag:s11] =	ssyncset.done $0x0  }
0xa9: {  	[sflag:s11] =	ssyncadd.s32 $0xFFFFC000  }
0xaa: {  	_ =	swait.ge [sflag:s5], $0x4000  }
0xab: {  	[sflag:s5] =	ssyncset.done $0x0  }
0xac: {  	[sflag:s5] =	ssyncadd.s32 $0xFFFFC000  }
0xad: {  	_ =	swait.ge [sflag:s4], $0x4000  }
0xae: {  	[sflag:s4] =	ssyncset.done $0x0  }
0xaf: {  	[sflag:s4] =	ssyncadd.s32 $0xFFFFC000  }
0xb0: {  	_ =	swait.ge [sflag:s4], $0x4000  }
0xb1: {  	[sflag:s4] =	ssyncset.done $0x0  }
0xb2: {  	[sflag:s4] =	ssyncadd.s32 $0xFFFFC000  }
0xb3: {  	_ =	swait.ge [sflag:s4], $0x4000  }
0xb4: {  	[sflag:s4] =	ssyncset.done $0x0  }
0xb5: {  	[sflag:s4] =	ssyncadd.s32 $0xFFFFC000  }
0xb6: {  	_ =	swait.ge [sflag:s4], $0x4000  }
0xb7: {  	[sflag:s4] =	ssyncset.done $0x0  }
0xb8: {  	[sflag:s4] =	ssyncadd.s32 $0xFFFFC000  }
0xb9: {  	_ =	swait.ge [sflag:s4], $0x4000  }
0xba: {  	[sflag:s4] =	ssyncset.done $0x0  }
0xbb: {  	[sflag:s4] =	ssyncadd.s32 $0xFFFFC000  }
0xbc: {  	_ =	swait.ge [sflag:s4], $0x4000  }
0xbd: {  	[sflag:s4] =	ssyncset.done $0x0  }
0xbe: {  	[sflag:s4] =	ssyncadd.s32 $0xFFFFC000  }
0xbf: {  	_ =	swait.ge [sflag:s4], $0x4000  }
0xc0: {  	[sflag:s4] =	ssyncset.done $0x0  }
0xc1: {  	[sflag:s4] =	ssyncadd.s32 $0xFFFFC000  }
0xc2: {  	_ =	swait.ge [sflag:s4], $0x4000  }
0xc3: {  	[sflag:s4] =	ssyncset.done $0x0  }
0xc4: {  	[sflag:s4] =	ssyncadd.s32 $0xFFFFC000  }
0xc5: {  	_ =	swait.ge [sflag:s4], $0x4000  }
0xc6: {  	[sflag:s4] =	ssyncset.done $0x0  }
0xc7: {  	[sflag:s4] =	ssyncadd.s32 $0xFFFFC000  }
0xc8: {  	_ =	swait.ge [sflag:s4], $0x4000  }
0xc9: {  	[sflag:s4] =	ssyncset.done $0x0  }
0xca: {  	[sflag:s4] =	ssyncadd.s32 $0xFFFFC000  }
0xcb: {  	_ =	swait.ge [sflag:s4], $0x4000  }
0xcc: {  	[sflag:s4] =	ssyncset.done $0x0  }
0xcd: {  	p1 =	sne.s32 s20, $0x1;
	[sflag:s4] =	ssyncadd.s32 $0xFFFFC000  }
.Ltmp1:
0xce: {  	_ =	swait.ge [sflag:s4], $0x4000;
	(pc) =	sbr.rel @!p1 .LBB2_2-.Ltmp1, $4  }
0xcf: {  	[sflag:s4] =	ssyncset.done $0x0  }
0xd0: {  	[sflag:s4] =	ssyncadd.s32 $0xFFFFC000  }
0xd1: {  	p0 =	por $0x1, $0x1;
	s0 =	simm.s32 $0x800;
	_ =	swait.ge [sflag:s4], $0x4000  }
0xd2: {  	s17 =	sadd.s32 $0xFFFFFFFF, s20;
	s19 =	rddreg [dreg:$0x6];
	[sflag:s4] =	ssyncset.done $0x0  }
.LBB2_3:
0xd3: {  	[sflag:s4] =	ssyncadd.s32 $0xFFFFC000  }
0xd4: {  	[tilespmem:s22], [sflag:$0xA] =	stream.linear.gather [hbm4b:s19+s22], $0x680, $0x38;
	[tilespmem:$0x15000] =	vst v63  }
0xd5: {  	_ =	swait.ge [sflag:s1], $0x680  }
0xd6: {  	[sflag:s1] =	ssyncset.done $0x0  }
0xd7: {  	s20 =	rddreg [dreg:$0x7];
	[sflag:s1] =	ssyncadd.s32 $0xFFFFF980  }
0xd8: {  	[tilespmem:s0], [sflag:$0xA] =	stream.linear.gather [hbm4b:s20+s22], $0x680, $0x38;
	[tilespmem:$0x15000] =	vst v63  }
0xd9: {  	_ =	swait.ge [sflag:s1], $0x680  }
0xda: {  	[sflag:s1] =	ssyncset.done $0x0  }
0xdb: {  	s20 =	rddreg [dreg:$0x5];
	[sflag:s1] =	ssyncadd.s32 $0xFFFFF980  }
0xdc: {  	[tilespmem:s31], [sflag:$0xA] =	stream.linear.gather [hbm4b:s20+s22], $0x4000, $0x38;
	[tilespmem:$0x15000] =	vst v63  }
0xdd: {  	_ =	swait.ge [sflag:s1], $0x4000  }
0xde: {  	[sflag:s1] =	ssyncset.done $0x0  }
0xdf: {  	[sflag:s1] =	ssyncadd.s32 $0xFFFFC000  }
0xe0: {  	[hbm4b:s2+s6] =	stream.indirect.scatter [tilespmem:s31], [sflag:$0x9], $0x80, s0, s6, $0xb8;
	[tilespmem:$0x15000] =	vst v63  }
0xe1: {  	s19 =	rddreg [dreg:$0x8]  }
0xe2: {  	[hbm4b:s2+s6] =	stream.indirect.scatter [tilespmem:s31], [sflag:$0x9], $0x80, s19, s6, $0xb8;
	[tilespmem:$0x15000] =	vst v63  }
0xe3: {  	s20 =	rddreg [dreg:$0x9]  }
0xe4: {  	[hbm4b:s2+s6] =	stream.indirect.scatter [tilespmem:s31], [sflag:$0x9], $0x80, s20, s6, $0xb8;
	[tilespmem:$0x15000] =	vst v63  }
0xe5: {  	s19 =	rddreg [dreg:$0xa]  }
0xe6: {  	[hbm4b:s2+s6] =	stream.indirect.scatter [tilespmem:s31], [sflag:$0x9], $0x80, s19, s6, $0xb8;
	[tilespmem:$0x15000] =	vst v63  }
0xe7: {  	s20 =	rddreg [dreg:$0xb]  }
0xe8: {  	[hbm4b:s2+s6] =	stream.indirect.scatter [tilespmem:s31], [sflag:$0x9], $0x80, s20, s6, $0xb8;
	[tilespmem:$0x15000] =	vst v63  }
0xe9: {  	s19 =	rddreg [dreg:$0xc]  }
0xea: {  	[hbm4b:s2+s6] =	stream.indirect.scatter [tilespmem:s31], [sflag:$0x9], $0x80, s19, s6, $0xb8;
	[tilespmem:$0x15000] =	vst v63  }
0xeb: {  	s20 =	rddreg [dreg:$0xd]  }
0xec: {  	[hbm4b:s2+s6] =	stream.indirect.scatter [tilespmem:s31], [sflag:$0x9], $0x80, s20, s6, $0xb8;
	[tilespmem:$0x15000] =	vst v63  }
0xed: {  	s19 =	rddreg [dreg:$0xe]  }
0xee: {  	[hbm4b:s2+s6] =	stream.indirect.scatter [tilespmem:s31], [sflag:$0x9], $0x80, s19, s6, $0xb8;
	[tilespmem:$0x15000] =	vst v63  }
0xef: {  	s20 =	rddreg [dreg:$0xf]  }
0xf0: {  	[hbm4b:s2+s6] =	stream.indirect.scatter [tilespmem:s31], [sflag:$0x9], $0x80, s20, s6, $0xb8;
	[tilespmem:$0x15000] =	vst v63  }
0xf1: {  	s19 =	rddreg [dreg:$0x10]  }
0xf2: {  	[hbm4b:s2+s6] =	stream.indirect.scatter [tilespmem:s31], [sflag:$0x9], $0x80, s19, s6, $0xb8;
	[tilespmem:$0x15000] =	vst v63  }
0xf3: {  	s20 =	rddreg [dreg:$0x11]  }
0xf4: {  	[hbm4b:s2+s6] =	stream.indirect.scatter [tilespmem:s31], [sflag:$0x9], $0x80, s20, s6, $0xb8;
	[tilespmem:$0x15000] =	vst v63  }
0xf5: {  	s19 =	rddreg [dreg:$0x12]  }
0xf6: {  	[hbm4b:s2+s6] =	stream.indirect.scatter [tilespmem:s31], [sflag:$0x9], $0x80, s19, s6, $0xb8;
	[tilespmem:$0x15000] =	vst v63  }
0xf7: {  	s20 =	rddreg [dreg:$0x13]  }
0xf8: {  	[hbm4b:s2+s6] =	stream.indirect.scatter [tilespmem:s31], [sflag:$0x9], $0x80, s20, s6, $0xb8;
	[tilespmem:$0x15000] =	vst v63  }
0xf9: {  	_ = 	snop  }
0xfa: {  	[tilespmem:s7], [sflag:$0x1] =	stream.indirect.gather [hbm4b:s3+s6], $0x80, s22, s6, $0xb8;
	[tilespmem:$0x15000] =	vst v63  }
0xfb: {  	_ = 	snop  }
0xfc: {  	[tilespmem:s15], [sflag:$0x2] =	stream.indirect.gather [hbm4b:s3+s6], $0x80, s6, s6, $0xb8;
	[tilespmem:$0x15000] =	vst v63  }
0xfd: {  	_ =	swait.ge [sflag:s8], $0x4000  }
0xfe: {  	[sflag:s8] =	ssyncset.done $0x0  }
0xff: {  	[sflag:s8] =	ssyncadd.s32 $0xFFFFC000  }
0x100: {  	[hbm4b:s2+s6] =	stream.indirect.scatter [tilespmem:s7], [sflag:$0x5], $0x80, s22, s6, $0xb8;
	[tilespmem:$0x15000] =	vst v63  }
0x101: {  	s19 =	simm.s32 $0x100  }
0x102: {  	[tilespmem:s13], [sflag:$0x3] =	stream.indirect.gather [hbm4b:s3+s6], $0x80, s19, s6, $0xb8;
	[tilespmem:$0x15000] =	vst v63  }
0x103: {  	_ =	swait.ge [sflag:s18], $0x4000  }
0x104: {  	[sflag:s18] =	ssyncset.done $0x0  }
0x105: {  	[sflag:s18] =	ssyncadd.s32 $0xFFFFC000  }
0x106: {  	[hbm4b:s2+s6] =	stream.indirect.scatter [tilespmem:s15], [sflag:$0x6], $0x80, s6, s6, $0xb8;
	[tilespmem:$0x15000] =	vst v63  }
0x107: {  	s20 =	simm.s32 $0x180  }
0x108: {  	[tilespmem:s12], [sflag:$0x4] =	stream.indirect.gather [hbm4b:s3+s6], $0x80, s20, s6, $0xb8;
	[tilespmem:$0x15000] =	vst v63  }
0x109: {  	_ =	swait.ge [sflag:s16], $0x4000  }
0x10a: {  	[sflag:s16] =	ssyncset.done $0x0  }
0x10b: {  	[sflag:s16] =	ssyncadd.s32 $0xFFFFC000  }
0x10c: {  	[hbm4b:s2+s6] =	stream.indirect.scatter [tilespmem:s13], [sflag:$0x7], $0x80, s19, s6, $0xb8;
	[tilespmem:$0x15000] =	vst v63  }
0x10d: {  	_ =	swait.ge [sflag:s5], $0x4000  }
0x10e: {  	[sflag:s5] =	ssyncset.done $0x0  }
0x10f: {  	s19 =	simm.s32 $0x200;
	[sflag:s5] =	ssyncadd.s32 $0xFFFFC000  }
0x110: {  	[tilespmem:s7], [sflag:$0x1] =	stream.indirect.gather [hbm4b:s3+s6], $0x80, s19, s6, $0xb8;
	[tilespmem:$0x15000] =	vst v63  }
0x111: {  	_ =	swait.ge [sflag:s14], $0x4000  }
0x112: {  	[sflag:s14] =	ssyncset.done $0x0  }
0x113: {  	[sflag:s14] =	ssyncadd.s32 $0xFFFFC000  }
0x114: {  	[hbm4b:s2+s6] =	stream.indirect.scatter [tilespmem:s12], [sflag:$0x8], $0x80, s20, s6, $0xb8;
	[tilespmem:$0x15000] =	vst v63  }
0x115: {  	_ =	swait.ge [sflag:s10], $0x4000  }
0x116: {  	[sflag:s10] =	ssyncset.done $0x0  }
0x117: {  	[sflag:s10] =	ssyncadd.s32 $0xFFFFC000  }
0x118: {  	[tilespmem:s15], [sflag:$0x2] =	stream.indirect.gather [hbm4b:s3+s6], $0x80, s30, s6, $0xb8;
	[tilespmem:$0x15000] =	vst v63  }
0x119: {  	_ =	swait.ge [sflag:s8], $0x4000  }
0x11a: {  	[sflag:s8] =	ssyncset.done $0x0  }
0x11b: {  	[sflag:s8] =	ssyncadd.s32 $0xFFFFC000  }
0x11c: {  	[hbm4b:s2+s6] =	stream.indirect.scatter [tilespmem:s7], [sflag:$0x5], $0x80, s19, s6, $0xb8;
	[tilespmem:$0x15000] =	vst v63  }
0x11d: {  	_ =	swait.ge [sflag:s9], $0x4000  }
0x11e: {  	[sflag:s9] =	ssyncset.done $0x0  }
0x11f: {  	[sflag:s9] =	ssyncadd.s32 $0xFFFFC000  }
0x120: {  	[tilespmem:s13], [sflag:$0x3] =	stream.indirect.gather [hbm4b:s3+s6], $0x80, s29, s6, $0xb8;
	[tilespmem:$0x15000] =	vst v63  }
0x121: {  	_ =	swait.ge [sflag:s18], $0x4000  }
0x122: {  	[sflag:s18] =	ssyncset.done $0x0  }
0x123: {  	[sflag:s18] =	ssyncadd.s32 $0xFFFFC000  }
0x124: {  	[hbm4b:s2+s6] =	stream.indirect.scatter [tilespmem:s15], [sflag:$0x6], $0x80, s30, s6, $0xb8;
	[tilespmem:$0x15000] =	vst v63  }
0x125: {  	_ =	swait.ge [sflag:s11], $0x4000  }
0x126: {  	[sflag:s11] =	ssyncset.done $0x0  }
0x127: {  	[sflag:s11] =	ssyncadd.s32 $0xFFFFC000  }
0x128: {  	[tilespmem:s12], [sflag:$0x4] =	stream.indirect.gather [hbm4b:s3+s6], $0x80, s28, s6, $0xb8;
	[tilespmem:$0x15000] =	vst v63  }
0x129: {  	_ =	swait.ge [sflag:s16], $0x4000  }
0x12a: {  	[sflag:s16] =	ssyncset.done $0x0  }
0x12b: {  	[sflag:s16] =	ssyncadd.s32 $0xFFFFC000  }
0x12c: {  	[hbm4b:s2+s6] =	stream.indirect.scatter [tilespmem:s13], [sflag:$0x7], $0x80, s29, s6, $0xb8;
	[tilespmem:$0x15000] =	vst v63  }
0x12d: {  	_ =	swait.ge [sflag:s5], $0x4000  }
0x12e: {  	[sflag:s5] =	ssyncset.done $0x0  }
0x12f: {  	[sflag:s5] =	ssyncadd.s32 $0xFFFFC000  }
0x130: {  	[tilespmem:s7], [sflag:$0x1] =	stream.indirect.gather [hbm4b:s3+s6], $0x80, s26, s6, $0xb8;
	[tilespmem:$0x15000] =	vst v63  }
0x131: {  	_ =	swait.ge [sflag:s14], $0x4000  }
0x132: {  	[sflag:s14] =	ssyncset.done $0x0  }
0x133: {  	[sflag:s14] =	ssyncadd.s32 $0xFFFFC000  }
0x134: {  	[hbm4b:s2+s6] =	stream.indirect.scatter [tilespmem:s12], [sflag:$0x8], $0x80, s28, s6, $0xb8;
	[tilespmem:$0x15000] =	vst v63  }
0x135: {  	_ =	swait.ge [sflag:s10], $0x4000  }
0x136: {  	[sflag:s10] =	ssyncset.done $0x0  }
0x137: {  	[sflag:s10] =	ssyncadd.s32 $0xFFFFC000  }
0x138: {  	[tilespmem:s15], [sflag:$0x2] =	stream.indirect.gather [hbm4b:s3+s6], $0x80, s25, s6, $0xb8;
	[tilespmem:$0x15000] =	vst v63  }
0x139: {  	_ =	swait.ge [sflag:s8], $0x4000  }
0x13a: {  	[sflag:s8] =	ssyncset.done $0x0  }
0x13b: {  	[sflag:s8] =	ssyncadd.s32 $0xFFFFC000  }
0x13c: {  	[hbm4b:s2+s6] =	stream.indirect.scatter [tilespmem:s7], [sflag:$0x5], $0x80, s26, s6, $0xb8;
	[tilespmem:$0x15000] =	vst v63  }
0x13d: {  	_ =	swait.ge [sflag:s9], $0x4000  }
0x13e: {  	[sflag:s9] =	ssyncset.done $0x0  }
0x13f: {  	[sflag:s9] =	ssyncadd.s32 $0xFFFFC000  }
0x140: {  	[tilespmem:s13], [sflag:$0x3] =	stream.indirect.gather [hbm4b:s3+s6], $0x80, s24, s6, $0xb8;
	[tilespmem:$0x15000] =	vst v63  }
0x141: {  	_ =	swait.ge [sflag:s18], $0x4000  }
0x142: {  	[sflag:s18] =	ssyncset.done $0x0  }
0x143: {  	[sflag:s18] =	ssyncadd.s32 $0xFFFFC000  }
0x144: {  	[hbm4b:s2+s6] =	stream.indirect.scatter [tilespmem:s15], [sflag:$0x6], $0x80, s25, s6, $0xb8;
	[tilespmem:$0x15000] =	vst v63  }
0x145: {  	_ =	swait.ge [sflag:s11], $0x4000  }
0x146: {  	[sflag:s11] =	ssyncset.done $0x0  }
0x147: {  	[sflag:s11] =	ssyncadd.s32 $0xFFFFC000  }
0x148: {  	[tilespmem:s12], [sflag:$0x4] =	stream.indirect.gather [hbm4b:s3+s6], $0x80, s23, s6, $0xb8;
	[tilespmem:$0x15000] =	vst v63  }
0x149: {  	_ =	swait.ge [sflag:s16], $0x4000  }
0x14a: {  	[sflag:s16] =	ssyncset.done $0x0  }
0x14b: {  	[sflag:s16] =	ssyncadd.s32 $0xFFFFC000  }
0x14c: {  	[hbm4b:s2+s6] =	stream.indirect.scatter [tilespmem:s13], [sflag:$0x7], $0x80, s24, s6, $0xb8;
	[tilespmem:$0x15000] =	vst v63  }
0x14d: {  	_ =	swait.ge [sflag:s5], $0x4000  }
0x14e: {  	[sflag:s5] =	ssyncset.done $0x0  }
0x14f: {  	[sflag:s5] =	ssyncadd.s32 $0xFFFFC000  }
0x150: {  	[tilespmem:s7], [sflag:$0x1] =	stream.indirect.gather [hbm4b:s3+s6], $0x80, s21, s6, $0xb8;
	[tilespmem:$0x15000] =	vst v63  }
0x151: {  	_ =	swait.ge [sflag:s14], $0x4000  }
0x152: {  	[sflag:s14] =	ssyncset.done $0x0  }
0x153: {  	[sflag:s14] =	ssyncadd.s32 $0xFFFFC000  }
0x154: {  	[hbm4b:s2+s6] =	stream.indirect.scatter [tilespmem:s12], [sflag:$0x8], $0x80, s23, s6, $0xb8;
	[tilespmem:$0x15000] =	vst v63  }
0x155: {  	_ =	swait.ge [sflag:s8], $0x4000  }
0x156: {  	[sflag:s8] =	ssyncset.done $0x0  }
0x157: {  	[sflag:s8] =	ssyncadd.s32 $0xFFFFC000  }
0x158: {  	[hbm4b:s2+s6] =	stream.indirect.scatter [tilespmem:s7], [sflag:$0x5], $0x80, s21, s6, $0xb8;
	[tilespmem:$0x15000] =	vst v63  }
0x159: {  	_ =	swait.ge [sflag:s10], $0x4000  }
0x15a: {  	[sflag:s10] =	ssyncset.done $0x0  }
0x15b: {  	[sflag:s10] =	ssyncadd.s32 $0xFFFFC000  }
0x15c: {  	_ =	swait.ge [sflag:s9], $0x4000  }
0x15d: {  	[sflag:s9] =	ssyncset.done $0x0  }
0x15e: {  	[sflag:s9] =	ssyncadd.s32 $0xFFFFC000  }
0x15f: {  	_ =	swait.ge [sflag:s11], $0x4000  }
0x160: {  	[sflag:s11] =	ssyncset.done $0x0  }
0x161: {  	[sflag:s11] =	ssyncadd.s32 $0xFFFFC000  }
0x162: {  	_ =	swait.ge [sflag:s5], $0x4000  }
0x163: {  	[sflag:s5] =	ssyncset.done $0x0  }
0x164: {  	[sflag:s5] =	ssyncadd.s32 $0xFFFFC000  }
0x165: {  	_ =	swait.ge [sflag:s4], $0x4000  }
0x166: {  	[sflag:s4] =	ssyncset.done $0x0  }
0x167: {  	[sflag:s4] =	ssyncadd.s32 $0xFFFFC000  }
0x168: {  	_ =	swait.ge [sflag:s4], $0x4000  }
0x169: {  	[sflag:s4] =	ssyncset.done $0x0  }
0x16a: {  	[sflag:s4] =	ssyncadd.s32 $0xFFFFC000  }
0x16b: {  	_ =	swait.ge [sflag:s4], $0x4000  }
0x16c: {  	[sflag:s4] =	ssyncset.done $0x0  }
0x16d: {  	[sflag:s4] =	ssyncadd.s32 $0xFFFFC000  }
0x16e: {  	_ =	swait.ge [sflag:s4], $0x4000  }
0x16f: {  	[sflag:s4] =	ssyncset.done $0x0  }
0x170: {  	[sflag:s4] =	ssyncadd.s32 $0xFFFFC000  }
0x171: {  	_ =	swait.ge [sflag:s4], $0x4000  }
0x172: {  	[sflag:s4] =	ssyncset.done $0x0  }
0x173: {  	[sflag:s4] =	ssyncadd.s32 $0xFFFFC000  }
0x174: {  	_ =	swait.ge [sflag:s4], $0x4000  }
0x175: {  	[sflag:s4] =	ssyncset.done $0x0  }
0x176: {  	[sflag:s4] =	ssyncadd.s32 $0xFFFFC000  }
0x177: {  	_ =	swait.ge [sflag:s4], $0x4000  }
0x178: {  	[sflag:s4] =	ssyncset.done $0x0  }
0x179: {  	[sflag:s4] =	ssyncadd.s32 $0xFFFFC000  }
0x17a: {  	_ =	swait.ge [sflag:s4], $0x4000  }
0x17b: {  	[sflag:s4] =	ssyncset.done $0x0  }
0x17c: {  	[sflag:s4] =	ssyncadd.s32 $0xFFFFC000  }
0x17d: {  	_ =	swait.ge [sflag:s4], $0x4000  }
0x17e: {  	[sflag:s4] =	ssyncset.done $0x0  }
0x17f: {  	[sflag:s4] =	ssyncadd.s32 $0xFFFFC000  }
0x180: {  	_ =	swait.ge [sflag:s4], $0x4000  }
0x181: {  	[sflag:s4] =	ssyncset.done $0x0  }
0x182: {  	[sflag:s4] =	ssyncadd.s32 $0xFFFFC000  }
0x183: {  	_ =	swait.ge [sflag:s4], $0x4000  }
0x184: {  	[sflag:s4] =	ssyncset.done $0x0  }
0x185: {  	p1 =	sne.s32 s17, $0x1;
	[sflag:s4] =	ssyncadd.s32 $0xFFFFC000  }
.Ltmp2:
0x186: {  	_ =	swait.ge [sflag:s4], $0x4000;
	(pc) =	sbr.rel @p1 .LBB2_3-.Ltmp2, $4  }
0x187: {  	[sflag:s4] =	ssyncset.done $0x0  }
0x188: {  	[sflag:s4] =	ssyncadd.s32 $0xFFFFC000  }
0x189: {  	_ =	swait.ge [sflag:s4], $0x4000  }
0x18a: {  	s17 =	sadd.s32 $0xFFFFFFFF, s17;
	s19 =	rddreg [dreg:$0x6];
	[sflag:s4] =	ssyncset.done $0x0  }
0x18b: {  	s20 =	stileid.u32  }
.LBB2_5:
0x18c: {  	[sflag:s4] =	ssyncadd.s32 @p0 $0xFFFFC000  }
0x18d: {  	[tilespmem:s22], [sflag:$0xA] =	stream.linear.gather [hbm4b:s19+s22], $0x680, $0x38;
	[tilespmem:$0x15000] =	vst v63  }
0x18e: {  	_ =	swait.ge [sflag:s1], $0x680  }
0x18f: {  	[sflag:s1] =	ssyncset.done $0x0  }
0x190: {  	s0 =	simm.s32 $0x800;
	s17 =	rddreg [dreg:$0x7];
	[sflag:s1] =	ssyncadd.s32 $0xFFFFF980  }
0x191: {  	[tilespmem:s0], [sflag:$0xA] =	stream.linear.gather [hbm4b:s17+s22], $0x680, $0x38;
	[tilespmem:$0x15000] =	vst v63  }
0x192: {  	_ =	swait.ge [sflag:s1], $0x680  }
0x193: {  	[sflag:s1] =	ssyncset.done $0x0  }
0x194: {  	s29 =	rddreg [dreg:$0x5];
	[sflag:s1] =	ssyncadd.s32 $0xFFFFF980  }
0x195: {  	[tilespmem:s31], [sflag:$0xA] =	stream.linear.gather [hbm4b:s29+s22], $0x4000, $0x38;
	[tilespmem:$0x15000] =	vst v63  }
0x196: {  	_ =	swait.ge [sflag:s1], $0x4000  }
0x197: {  	[sflag:s1] =	ssyncset.done $0x0  }
0x198: {  	[sflag:s1] =	ssyncadd.s32 $0xFFFFC000  }
0x199: {  	[hbm4b:s2+s6] =	stream.indirect.scatter [tilespmem:s31], [sflag:$0x9], $0x80, s0, s6, $0xb8;
	[tilespmem:$0x15000] =	vst v63  }
0x19a: {  	s30 =	rddreg [dreg:$0x8]  }
0x19b: {  	[hbm4b:s2+s6] =	stream.indirect.scatter [tilespmem:s31], [sflag:$0x9], $0x80, s30, s6, $0xb8;
	[tilespmem:$0x15000] =	vst v63  }
0x19c: {  	s17 =	rddreg [dreg:$0x9]  }
0x19d: {  	[hbm4b:s2+s6] =	stream.indirect.scatter [tilespmem:s31], [sflag:$0x9], $0x80, s17, s6, $0xb8;
	[tilespmem:$0x15000] =	vst v63  }
0x19e: {  	s19 =	rddreg [dreg:$0xa]  }
0x19f: {  	[hbm4b:s2+s6] =	stream.indirect.scatter [tilespmem:s31], [sflag:$0x9], $0x80, s19, s6, $0xb8;
	[tilespmem:$0x15000] =	vst v63  }
0x1a0: {  	s21 =	rddreg [dreg:$0xb]  }
0x1a1: {  	[hbm4b:s2+s6] =	stream.indirect.scatter [tilespmem:s31], [sflag:$0x9], $0x80, s21, s6, $0xb8;
	[tilespmem:$0x15000] =	vst v63  }
0x1a2: {  	s23 =	rddreg [dreg:$0xc]  }
0x1a3: {  	[hbm4b:s2+s6] =	stream.indirect.scatter [tilespmem:s31], [sflag:$0x9], $0x80, s23, s6, $0xb8;
	[tilespmem:$0x15000] =	vst v63  }
0x1a4: {  	s24 =	rddreg [dreg:$0xd]  }
0x1a5: {  	[hbm4b:s2+s6] =	stream.indirect.scatter [tilespmem:s31], [sflag:$0x9], $0x80, s24, s6, $0xb8;
	[tilespmem:$0x15000] =	vst v63  }
0x1a6: {  	s25 =	rddreg [dreg:$0xe]  }
0x1a7: {  	[hbm4b:s2+s6] =	stream.indirect.scatter [tilespmem:s31], [sflag:$0x9], $0x80, s25, s6, $0xb8;
	[tilespmem:$0x15000] =	vst v63  }
0x1a8: {  	s26 =	rddreg [dreg:$0xf]  }
0x1a9: {  	[hbm4b:s2+s6] =	stream.indirect.scatter [tilespmem:s31], [sflag:$0x9], $0x80, s26, s6, $0xb8;
	[tilespmem:$0x15000] =	vst v63  }
0x1aa: {  	s28 =	rddreg [dreg:$0x10]  }
0x1ab: {  	[hbm4b:s2+s6] =	stream.indirect.scatter [tilespmem:s31], [sflag:$0x9], $0x80, s28, s6, $0xb8;
	[tilespmem:$0x15000] =	vst v63  }
0x1ac: {  	s29 =	rddreg [dreg:$0x11]  }
0x1ad: {  	[hbm4b:s2+s6] =	stream.indirect.scatter [tilespmem:s31], [sflag:$0x9], $0x80, s29, s6, $0xb8;
	[tilespmem:$0x15000] =	vst v63  }
0x1ae: {  	s30 =	rddreg [dreg:$0x12]  }
0x1af: {  	[hbm4b:s2+s6] =	stream.indirect.scatter [tilespmem:s31], [sflag:$0x9], $0x80, s30, s6, $0xb8;
	[tilespmem:$0x15000] =	vst v63  }
0x1b0: {  	s17 =	rddreg [dreg:$0x13]  }
0x1b1: {  	[hbm4b:s2+s6] =	stream.indirect.scatter [tilespmem:s31], [sflag:$0x9], $0x80, s17, s6, $0xb8;
	[tilespmem:$0x15000] =	vst v63  }
0x1b2: {  	_ = 	snop  }
0x1b3: {  	[tilespmem:s7], [sflag:$0x1] =	stream.indirect.gather [hbm4b:s3+s6], $0x80, s22, s6, $0xb8;
	[tilespmem:$0x15000] =	vst v63  }
0x1b4: {  	_ = 	snop  }
0x1b5: {  	[tilespmem:s15], [sflag:$0x2] =	stream.indirect.gather [hbm4b:s3+s6], $0x80, s6, s6, $0xb8;
	[tilespmem:$0x15000] =	vst v63  }
0x1b6: {  	_ =	swait.ge [sflag:s8], $0x4000  }
0x1b7: {  	[sflag:s8] =	ssyncset.done $0x0  }
0x1b8: {  	[sflag:s8] =	ssyncadd.s32 $0xFFFFC000  }
0x1b9: {  	[hbm4b:s2+s6] =	stream.indirect.scatter [tilespmem:s7], [sflag:$0x5], $0x80, s22, s6, $0xb8;
	[tilespmem:$0x15000] =	vst v63  }
0x1ba: {  	s19 =	simm.s32 $0x100  }
0x1bb: {  	[tilespmem:s13], [sflag:$0x3] =	stream.indirect.gather [hbm4b:s3+s6], $0x80, s19, s6, $0xb8;
	[tilespmem:$0x15000] =	vst v63  }
0x1bc: {  	_ =	swait.ge [sflag:s18], $0x4000  }
0x1bd: {  	[sflag:s18] =	ssyncset.done $0x0  }
0x1be: {  	[sflag:s18] =	ssyncadd.s32 $0xFFFFC000  }
0x1bf: {  	[hbm4b:s2+s6] =	stream.indirect.scatter [tilespmem:s15], [sflag:$0x6], $0x80, s6, s6, $0xb8;
	[tilespmem:$0x15000] =	vst v63  }
0x1c0: {  	s21 =	simm.s32 $0x180  }
0x1c1: {  	[tilespmem:s12], [sflag:$0x4] =	stream.indirect.gather [hbm4b:s3+s6], $0x80, s21, s6, $0xb8;
	[tilespmem:$0x15000] =	vst v63  }
0x1c2: {  	_ =	swait.ge [sflag:s16], $0x4000  }
0x1c3: {  	[sflag:s16] =	ssyncset.done $0x0  }
0x1c4: {  	[sflag:s16] =	ssyncadd.s32 $0xFFFFC000  }
0x1c5: {  	[hbm4b:s2+s6] =	stream.indirect.scatter [tilespmem:s13], [sflag:$0x7], $0x80, s19, s6, $0xb8;
	[tilespmem:$0x15000] =	vst v63  }
0x1c6: {  	_ =	swait.ge [sflag:s5], $0x4000  }
0x1c7: {  	[sflag:s5] =	ssyncset.done $0x0  }
0x1c8: {  	s22 =	simm.s32 $0x200;
	[sflag:s5] =	ssyncadd.s32 $0xFFFFC000  }
0x1c9: {  	[tilespmem:s7], [sflag:$0x1] =	stream.indirect.gather [hbm4b:s3+s6], $0x80, s22, s6, $0xb8;
	[tilespmem:$0x15000] =	vst v63  }
0x1ca: {  	_ =	swait.ge [sflag:s14], $0x4000  }
0x1cb: {  	[sflag:s14] =	ssyncset.done $0x0  }
0x1cc: {  	[sflag:s14] =	ssyncadd.s32 $0xFFFFC000  }
0x1cd: {  	[hbm4b:s2+s6] =	stream.indirect.scatter [tilespmem:s12], [sflag:$0x8], $0x80, s21, s6, $0xb8;
	[tilespmem:$0x15000] =	vst v63  }
0x1ce: {  	_ =	swait.ge [sflag:s10], $0x4000  }
0x1cf: {  	[sflag:s10] =	ssyncset.done $0x0  }
0x1d0: {  	s23 =	simm.s32 $0x280;
	[sflag:s10] =	ssyncadd.s32 $0xFFFFC000  }
0x1d1: {  	[tilespmem:s15], [sflag:$0x2] =	stream.indirect.gather [hbm4b:s3+s6], $0x80, s23, s6, $0xb8;
	[tilespmem:$0x15000] =	vst v63  }
0x1d2: {  	_ =	swait.ge [sflag:s8], $0x4000  }
0x1d3: {  	[sflag:s8] =	ssyncset.done $0x0  }
0x1d4: {  	[sflag:s8] =	ssyncadd.s32 $0xFFFFC000  }
0x1d5: {  	[hbm4b:s2+s6] =	stream.indirect.scatter [tilespmem:s7], [sflag:$0x5], $0x80, s22, s6, $0xb8;
	[tilespmem:$0x15000] =	vst v63  }
0x1d6: {  	_ =	swait.ge [sflag:s9], $0x4000  }
0x1d7: {  	[sflag:s9] =	ssyncset.done $0x0  }
0x1d8: {  	s24 =	simm.s32 $0x300;
	[sflag:s9] =	ssyncadd.s32 $0xFFFFC000  }
0x1d9: {  	[tilespmem:s13], [sflag:$0x3] =	stream.indirect.gather [hbm4b:s3+s6], $0x80, s24, s6, $0xb8;
	[tilespmem:$0x15000] =	vst v63  }
0x1da: {  	_ =	swait.ge [sflag:s18], $0x4000  }
0x1db: {  	[sflag:s18] =	ssyncset.done $0x0  }
0x1dc: {  	[sflag:s18] =	ssyncadd.s32 $0xFFFFC000  }
0x1dd: {  	[hbm4b:s2+s6] =	stream.indirect.scatter [tilespmem:s15], [sflag:$0x6], $0x80, s23, s6, $0xb8;
	[tilespmem:$0x15000] =	vst v63  }
0x1de: {  	_ =	swait.ge [sflag:s11], $0x4000  }
0x1df: {  	[sflag:s11] =	ssyncset.done $0x0  }
0x1e0: {  	s25 =	simm.s32 $0x380;
	[sflag:s11] =	ssyncadd.s32 $0xFFFFC000  }
0x1e1: {  	[tilespmem:s12], [sflag:$0x4] =	stream.indirect.gather [hbm4b:s3+s6], $0x80, s25, s6, $0xb8;
	[tilespmem:$0x15000] =	vst v63  }
0x1e2: {  	_ =	swait.ge [sflag:s16], $0x4000  }
0x1e3: {  	[sflag:s16] =	ssyncset.done $0x0  }
0x1e4: {  	[sflag:s16] =	ssyncadd.s32 $0xFFFFC000  }
0x1e5: {  	[hbm4b:s2+s6] =	stream.indirect.scatter [tilespmem:s13], [sflag:$0x7], $0x80, s24, s6, $0xb8;
	[tilespmem:$0x15000] =	vst v63  }
0x1e6: {  	_ =	swait.ge [sflag:s5], $0x4000  }
0x1e7: {  	[sflag:s5] =	ssyncset.done $0x0  }
0x1e8: {  	s26 =	simm.s32 $0x400;
	[sflag:s5] =	ssyncadd.s32 $0xFFFFC000  }
0x1e9: {  	[tilespmem:s7], [sflag:$0x1] =	stream.indirect.gather [hbm4b:s3+s6], $0x80, s26, s6, $0xb8;
	[tilespmem:$0x15000] =	vst v63  }
0x1ea: {  	_ =	swait.ge [sflag:s14], $0x4000  }
0x1eb: {  	[sflag:s14] =	ssyncset.done $0x0  }
0x1ec: {  	[sflag:s14] =	ssyncadd.s32 $0xFFFFC000  }
0x1ed: {  	[hbm4b:s2+s6] =	stream.indirect.scatter [tilespmem:s12], [sflag:$0x8], $0x80, s25, s6, $0xb8;
	[tilespmem:$0x15000] =	vst v63  }
0x1ee: {  	_ =	swait.ge [sflag:s10], $0x4000  }
0x1ef: {  	[sflag:s10] =	ssyncset.done $0x0  }
0x1f0: {  	s28 =	simm.s32 $0x480;
	[sflag:s10] =	ssyncadd.s32 $0xFFFFC000  }
0x1f1: {  	[tilespmem:s15], [sflag:$0x2] =	stream.indirect.gather [hbm4b:s3+s6], $0x80, s28, s6, $0xb8;
	[tilespmem:$0x15000] =	vst v63  }
0x1f2: {  	_ =	swait.ge [sflag:s8], $0x4000  }
0x1f3: {  	[sflag:s8] =	ssyncset.done $0x0  }
0x1f4: {  	[sflag:s8] =	ssyncadd.s32 $0xFFFFC000  }
0x1f5: {  	[hbm4b:s2+s6] =	stream.indirect.scatter [tilespmem:s7], [sflag:$0x5], $0x80, s26, s6, $0xb8;
	[tilespmem:$0x15000] =	vst v63  }
0x1f6: {  	_ =	swait.ge [sflag:s9], $0x4000  }
0x1f7: {  	[sflag:s9] =	ssyncset.done $0x0  }
0x1f8: {  	s29 =	simm.s32 $0x500;
	[sflag:s9] =	ssyncadd.s32 $0xFFFFC000  }
0x1f9: {  	[tilespmem:s13], [sflag:$0x3] =	stream.indirect.gather [hbm4b:s3+s6], $0x80, s29, s6, $0xb8;
	[tilespmem:$0x15000] =	vst v63  }
0x1fa: {  	_ =	swait.ge [sflag:s18], $0x4000  }
0x1fb: {  	[sflag:s18] =	ssyncset.done $0x0  }
0x1fc: {  	[sflag:s18] =	ssyncadd.s32 $0xFFFFC000  }
0x1fd: {  	[hbm4b:s2+s6] =	stream.indirect.scatter [tilespmem:s15], [sflag:$0x6], $0x80, s28, s6, $0xb8;
	[tilespmem:$0x15000] =	vst v63  }
0x1fe: {  	_ =	swait.ge [sflag:s11], $0x4000  }
0x1ff: {  	[sflag:s11] =	ssyncset.done $0x0  }
0x200: {  	s30 =	simm.s32 $0x580;
	[sflag:s11] =	ssyncadd.s32 $0xFFFFC000  }
0x201: {  	[tilespmem:s12], [sflag:$0x4] =	stream.indirect.gather [hbm4b:s3+s6], $0x80, s30, s6, $0xb8;
	[tilespmem:$0x15000] =	vst v63  }
0x202: {  	_ =	swait.ge [sflag:s16], $0x4000  }
0x203: {  	[sflag:s16] =	ssyncset.done $0x0  }
0x204: {  	[sflag:s16] =	ssyncadd.s32 $0xFFFFC000  }
0x205: {  	[hbm4b:s2+s6] =	stream.indirect.scatter [tilespmem:s13], [sflag:$0x7], $0x80, s29, s6, $0xb8;
	[tilespmem:$0x15000] =	vst v63  }
0x206: {  	_ =	swait.ge [sflag:s5], $0x4000  }
0x207: {  	[sflag:s5] =	ssyncset.done $0x0  }
0x208: {  	s31 =	simm.s32 $0x600;
	[sflag:s5] =	ssyncadd.s32 $0xFFFFC000  }
0x209: {  	[tilespmem:s7], [sflag:$0x1] =	stream.indirect.gather [hbm4b:s3+s6], $0x80, s31, s6, $0xb8;
	[tilespmem:$0x15000] =	vst v63  }
0x20a: {  	_ =	swait.ge [sflag:s14], $0x4000  }
0x20b: {  	[sflag:s14] =	ssyncset.done $0x0  }
0x20c: {  	[sflag:s14] =	ssyncadd.s32 $0xFFFFC000  }
0x20d: {  	[hbm4b:s2+s6] =	stream.indirect.scatter [tilespmem:s12], [sflag:$0x8], $0x80, s30, s6, $0xb8;
	[tilespmem:$0x15000] =	vst v63  }
0x20e: {  	_ =	swait.ge [sflag:s8], $0x4000  }
0x20f: {  	[sflag:s8] =	ssyncset.done $0x0  }
0x210: {  	[sflag:s8] =	ssyncadd.s32 $0xFFFFC000  }
0x211: {  	[hbm4b:s2+s6] =	stream.indirect.scatter [tilespmem:s7], [sflag:$0x5], $0x80, s31, s6, $0xb8;
	[tilespmem:$0x15000] =	vst v63  }
0x212: {  	_ =	swait.ge [sflag:s10], $0x4000  }
0x213: {  	[sflag:s10] =	ssyncset.done $0x0  }
0x214: {  	[sflag:s10] =	ssyncadd.s32 $0xFFFFC000  }
0x215: {  	_ =	swait.ge [sflag:s9], $0x4000  }
0x216: {  	[sflag:s9] =	ssyncset.done $0x0  }
0x217: {  	[sflag:s9] =	ssyncadd.s32 $0xFFFFC000  }
0x218: {  	_ =	swait.ge [sflag:s11], $0x4000  }
0x219: {  	[sflag:s11] =	ssyncset.done $0x0  }
0x21a: {  	[sflag:s11] =	ssyncadd.s32 $0xFFFFC000  }
0x21b: {  	_ =	swait.ge [sflag:s5], $0x4000  }
0x21c: {  	[sflag:s5] =	ssyncset.done $0x0  }
0x21d: {  	[sflag:s5] =	ssyncadd.s32 $0xFFFFC000  }
0x21e: {  	_ =	swait.ge [sflag:s4], $0x4000  }
0x21f: {  	[sflag:s4] =	ssyncset.done $0x0  }
0x220: {  	[sflag:s4] =	ssyncadd.s32 $0xFFFFC000  }
0x221: {  	_ =	swait.ge [sflag:s4], $0x4000  }
0x222: {  	[sflag:s4] =	ssyncset.done $0x0  }
0x223: {  	[sflag:s4] =	ssyncadd.s32 $0xFFFFC000  }
0x224: {  	_ =	swait.ge [sflag:s4], $0x4000  }
0x225: {  	[sflag:s4] =	ssyncset.done $0x0  }
0x226: {  	[sflag:s4] =	ssyncadd.s32 $0xFFFFC000  }
0x227: {  	_ =	swait.ge [sflag:s4], $0x4000  }
0x228: {  	[sflag:s4] =	ssyncset.done $0x0  }
0x229: {  	[sflag:s4] =	ssyncadd.s32 $0xFFFFC000  }
0x22a: {  	_ =	swait.ge [sflag:s4], $0x4000  }
0x22b: {  	[sflag:s4] =	ssyncset.done $0x0  }
0x22c: {  	[sflag:s4] =	ssyncadd.s32 $0xFFFFC000  }
0x22d: {  	_ =	swait.ge [sflag:s4], $0x4000  }
0x22e: {  	[sflag:s4] =	ssyncset.done $0x0  }
0x22f: {  	[sflag:s4] =	ssyncadd.s32 $0xFFFFC000  }
0x230: {  	_ =	swait.ge [sflag:s4], $0x4000  }
0x231: {  	[sflag:s4] =	ssyncset.done $0x0  }
0x232: {  	[sflag:s4] =	ssyncadd.s32 $0xFFFFC000  }
0x233: {  	_ =	swait.ge [sflag:s4], $0x4000  }
0x234: {  	[sflag:s4] =	ssyncset.done $0x0  }
0x235: {  	[sflag:s4] =	ssyncadd.s32 $0xFFFFC000  }
0x236: {  	_ =	swait.ge [sflag:s4], $0x4000  }
0x237: {  	[sflag:s4] =	ssyncset.done $0x0  }
0x238: {  	[sflag:s4] =	ssyncadd.s32 $0xFFFFC000  }
0x239: {  	_ =	swait.ge [sflag:s4], $0x4000  }
0x23a: {  	[sflag:s4] =	ssyncset.done $0x0  }
0x23b: {  	[sflag:s4] =	ssyncadd.s32 $0xFFFFC000  }
0x23c: {  	_ =	swait.ge [sflag:s4], $0x4000  }
0x23d: {  	[sflag:s4] =	ssyncset.done $0x0  }
0x23e: {  	[sflag:s4] =	ssyncadd.s32 $0xFFFFC000  }
0x23f: {  	_ =	swait.ge [sflag:s4], $0x4000  }
0x240: {  	[sflag:s4] =	ssyncset.done $0x0  }
0x241: {  	[sflag:s4] =	ssyncadd.s32 $0xFFFFC000  }
0x242: {  	_ =	swait.ge [sflag:s4], $0x4000  }
0x243: {  	[sflag:s4] =	ssyncset.done $0x0  }
0x244: {  	[sflag:s4] =	ssyncadd.s32 $0xFFFFC000  }
0x245: {  	_ =	sfence.sel $0x180000  }
0x246: {  	[bflag:$0x0] =	sbarrier.arrive $0xFFFF  }
0x247: {  	_ =	strace $0x90000047  }
0x248: {  	[bflag:$0x2] =	sbarrier.arrive $0xFFFF  }
0x249: {  	p0 =	sne.s32 s20, $0x0;
	s0 =	rddreg [dreg:$0x4]  }
0x24a: {  	s0 =	sadd.s32 @!p0 $0x100000, s0  }
0x24b: {  	[sflag:s0] =	ssyncadd.tile.s32 @!p0 $0x1;
	_ =	shalt  }
.LBB2_2:
.Ltmp3:
0x24c: {  	(pc) =	sbr.rel .LBB2_5-.Ltmp3, $2  }
0x24d: {  	_ =	sdelay $0x2  }
0x24e: {  	s20 =	stileid.u32  }
.Lfunc_end2:
_tile_overlayer_lowered:
.L_overlay_start_2:
0x24f: {  	(tag) =	ssettag $0x2  }
0x250: {  	s0 =	rddreg [dreg:$0x0];
	s2 =	stileid.u32  }
0x251: {  	s1 =	rddreg [dreg:$0x1];
	p0 =	sne.s32 s2, $0x0  }
0x252: {  	s3 =	rddreg [dreg:$0x2];
	[bflag:$0x3] =	sbarrier.arrive $0xFFFF;
	s2 =	simm.s32 @!p0 $0x1C0A  }
0x253: {  	[timem:s3], [sflag:s2] =	dma.local @!p0 [hbm:s0], s1  }
0x254: {  	s0 =	simm.s32 @!p0 $0xA  }
0x255: {  	_ =	swait.ge @!p0 [sflag:s0], s1  }
0x256: {  	s1 =	ssub.s32 @!p0 $0x0, s1;
	[sflag:s0] =	ssyncset.done @!p0 $0x0  }
0x257: {  	[sflag:s0] =	ssyncadd.s32 @!p0 s1  }
0x258: {  	[bflag:$0x3] =	sbarrier.arrive $0xFFFF  }
0x259: {  	_ =	shalt  }

</sc_bundles>
